<compile_context>
chip_gen: v7x
topology: tpu7x:2x2x1
jax: 0.10.2.dev20260603
libtpu: 0.0.44.dev20260713+nightly
codegen_flags: <defaults>
</compile_context>

<pallas_src>
import functools

import jax
import jax.numpy as jnp
from jax import lax
from jax.experimental import pallas as pl
from jax.experimental.pallas import tpu as pltpu
from jax.experimental.pallas import tpu_sc as plsc

_NW = 32
_BW = 2
_NBUF = 4


def _make_gather(dtype, batch, hist, dim):
    mesh = plsc.VectorSubcoreMesh(
        core_axis_name="core", subcore_axis_name="subcore"
    )
    bpw = batch // _NW
    nwin = bpw // _BW
    rows = _BW * hist

    @functools.partial(
        pl.kernel,
        mesh=mesh,
        out_type=jax.ShapeDtypeStruct((batch, hist, dim), dtype),
        scratch_types=[
            pltpu.VMEM((nwin, rows), jnp.int32),
        ]
        + [pltpu.VMEM((rows, dim), dtype) for _ in range(_NBUF)]
        + [pltpu.SemaphoreType.DMA for _ in range(2 * _NBUF)],
    )
    def gather_kernel(w_hbm, x_hbm, o_hbm, idx_v, *rest):
        bufs = rest[:_NBUF]
        gsems = rest[_NBUF:2 * _NBUF]
        osems = rest[2 * _NBUF:]

        wid = lax.axis_index("subcore") * 2 + lax.axis_index("core")
        base = wid * bpw
        pltpu.sync_copy(x_hbm.at[wid], idx_v)

        def start_gather(j, b):
            pltpu.async_copy(w_hbm.at[idx_v.at[j]], bufs[b], gsems[b])

        def wait_gather(b):
            pltpu.make_async_copy(
                w_hbm.at[idx_v.at[0]], bufs[b], gsems[b]
            ).wait()

        def start_out(j, b):
            b0 = base + j * _BW
            for k in range(_BW):
                pltpu.async_copy(
                    bufs[b].at[pl.ds(k * hist, hist)],
                    o_hbm.at[b0 + k],
                    osems[b],
                )

        def wait_out(b):
            for _ in range(_BW):
                pltpu.make_async_copy(
                    bufs[b].at[pl.ds(0, hist)], o_hbm.at[0], osems[b]
                ).wait()

        for b in range(_NBUF - 1):
            start_gather(b, b)

        @pl.loop(0, nwin // _NBUF)
        def _(p):
            for b in range(_NBUF):
                j = p * _NBUF + b
                wait_gather(b)
                start_out(j, b)
                gb = (b + _NBUF - 1) % _NBUF
                g = j + _NBUF - 1
                if b == 0:
                    @pl.when(p > 0)
                    def _():
                        wait_out(gb)
                    start_gather(g, gb)
                else:
                    wait_out(gb)

                    @pl.when(g < nwin)
                    def _():
                        start_gather(g, gb)

        wait_out((nwin - 1) % _NBUF)

    return gather_kernel


def kernel(x, weight):
    batch, hist = x.shape
    dim = weight.shape[1]
    bpw = batch // _NW
    idx = x.astype(jnp.int32).reshape(_NW, bpw // _BW, _BW * hist)
    return _make_gather(weight.dtype, batch, hist, dim)(weight, idx)

# --- scband reference (transcript-rebuilt; emitter-appended) ---
"""Pipeline reference for scband-embed-14096082666016 (READ-ONLY COPY).

The authoritative reference and input builder live on the scoring server;
editing this copy changes nothing except your own understanding.
"""

import jax, jax.numpy as jnp
import numpy as np

NUM_EMBEDDINGS = 100000
EMBEDDING_DIM = 128
BATCH = 4096
HIST_LEN = 50


def setup_inputs(seed: int = 0) -> dict:
    key = jax.random.key(seed)
    k1, k2 = jax.random.split(key)
    x = jax.random.randint(k1, (BATCH, HIST_LEN), 0, NUM_EMBEDDINGS, dtype=jnp.int64 if jax.config.jax_enable_x64 else jnp.int32)
    weight = jax.random.normal(k2, (NUM_EMBEDDINGS, EMBEDDING_DIM), dtype=jnp.float32)
    return {"x": x, "weight": weight}


def reference(x, weight):
    # Embedding lookup: gather rows of the table by index.
    # Equivalent to torch.nn.Embedding(num_embeddings, embedding_dim)(x)
    out = jnp.take(weight, x, axis=0)  # [B, L, D]
    return out

if __name__ == "__main__":
    import jax
    _d = setup_inputs()
    print(jax.jit(kernel)(*tuple(_d.values())))

</pallas_src>

<mosaic_0001>
#map = affine_map<(d0, d1) -> (0, 0)>
#map1 = affine_map<(d0, d1) -> (0, 0, 0)>
module attributes {stable_mosaic.version = 14 : i64} {
  func.func @gather_kernel(%arg0: i32, %arg1: i32, %arg2: memref<100000x128xf32, #tpu.memory_space<hbm>>, %arg3: memref<32x64x100xi32, #tpu.memory_space<hbm>>, %arg4: memref<4096x50x128xf32, #tpu.memory_space<hbm>>, %arg5: memref<64x100xi32, #tpu.memory_space<vmem>>, %arg6: memref<100x128xf32, #tpu.memory_space<vmem>>, %arg7: memref<100x128xf32, #tpu.memory_space<vmem>>, %arg8: memref<100x128xf32, #tpu.memory_space<vmem>>, %arg9: memref<100x128xf32, #tpu.memory_space<vmem>>, %arg10: memref<!tpu.dma_semaphore, #tpu.memory_space<semaphore_mem>>, %arg11: memref<!tpu.dma_semaphore, #tpu.memory_space<semaphore_mem>>, %arg12: memref<!tpu.dma_semaphore, #tpu.memory_space<semaphore_mem>>, %arg13: memref<!tpu.dma_semaphore, #tpu.memory_space<semaphore_mem>>, %arg14: memref<!tpu.dma_semaphore, #tpu.memory_space<semaphore_mem>>, %arg15: memref<!tpu.dma_semaphore, #tpu.memory_space<semaphore_mem>>, %arg16: memref<!tpu.dma_semaphore, #tpu.memory_space<semaphore_mem>>, %arg17: memref<!tpu.dma_semaphore, #tpu.memory_space<semaphore_mem>>) attributes {dimension_semantics = [#tpu.dimension_semantics<core_parallel>, #tpu.dimension_semantics<subcore_parallel>], iteration_bounds = array<i64: 2, 16>, scalar_prefetch = 0 : i64, scratch_operands = 13 : i64, tpu.core_type = #tpu.core_type<sc_vector_subcore>, window_params = [{transform_indices = #map}, {transform_indices = #map1}, {transform_indices = #map1}]} {
    %mul3A = arith.constant 2 : i32
    %mul3A_0 = arith.muli %arg1, %mul3A : i32
    %add3A = arith.addi %mul3A_0, %arg0 : i32
    %mul3A_1 = arith.constant 128 : i32
    %mul3A_2 = arith.muli %add3A, %mul3A_1 : i32
    "tpu.region"() ({
      %run_scoped3A = tpu.sem_alloc : memref<!tpu.dma_semaphore, #tpu.memory_space<semaphore_mem>>
      %dma_start3A_56 = arith.constant 0 : i32
      %dma_start3A_57 = arith.constant 0 : i32
      %dma_start3A_58 = tpu.memref_slice %arg3[%add3A, %dma_start3A_56, %dma_start3A_57] : memref<32x64x100xi32, #tpu.memory_space<hbm>> -> memref<1x64x100xi32, #tpu.memory_space<hbm>>
      %dma_start3A_59 = tpu.memref_squeeze %dma_start3A_58 : memref<1x64x100xi32, #tpu.memory_space<hbm>> -> memref<64x100xi32, #tpu.memory_space<hbm>>
      %dma_start3A_60 = arith.constant 0 : i32
      %dma_start3A_61 = arith.constant 0 : i32
      %dma_start3A_62 = tpu.memref_slice %arg3[%add3A, %dma_start3A_60, %dma_start3A_61] : memref<32x64x100xi32, #tpu.memory_space<hbm>> -> memref<1x64x100xi32, #tpu.memory_space<hbm>>
      %dma_start3A_63 = tpu.memref_squeeze %dma_start3A_62 : memref<1x64x100xi32, #tpu.memory_space<hbm>> -> memref<64x100xi32, #tpu.memory_space<hbm>>
      tpu.enqueue_dma source(%dma_start3A_63 : memref<64x100xi32, #tpu.memory_space<hbm>>) target(%arg5 : memref<64x100xi32, #tpu.memory_space<vmem>>) target_semaphore(%run_scoped3A : memref<!tpu.dma_semaphore, #tpu.memory_space<semaphore_mem>>)
      %dma_wait3A_64 = arith.constant 0 : i32
      %dma_wait3A_65 = arith.constant 0 : i32
      %dma_wait3A_66 = tpu.memref_slice %arg3[%add3A, %dma_wait3A_64, %dma_wait3A_65] : memref<32x64x100xi32, #tpu.memory_space<hbm>> -> memref<1x64x100xi32, #tpu.memory_space<hbm>>
      %dma_wait3A_67 = tpu.memref_squeeze %dma_wait3A_66 : memref<1x64x100xi32, #tpu.memory_space<hbm>> -> memref<64x100xi32, #tpu.memory_space<hbm>>
      %dma_wait3A_68 = arith.constant 0 : i32
      %dma_wait3A_69 = arith.constant 0 : i32
      %dma_wait3A_70 = tpu.memref_slice %arg3[%add3A, %dma_wait3A_68, %dma_wait3A_69] : memref<32x64x100xi32, #tpu.memory_space<hbm>> -> memref<1x64x100xi32, #tpu.memory_space<hbm>>
      %dma_wait3A_71 = tpu.memref_squeeze %dma_wait3A_70 : memref<1x64x100xi32, #tpu.memory_space<hbm>> -> memref<64x100xi32, #tpu.memory_space<hbm>>
      tpu.wait_dma2 semaphore(%run_scoped3A : memref<!tpu.dma_semaphore, #tpu.memory_space<semaphore_mem>>) src(%dma_wait3A_71 : memref<64x100xi32, #tpu.memory_space<hbm>>) dst(%arg5 : memref<64x100xi32, #tpu.memory_space<vmem>>)
      tpu.yield
    }) : () -> ()
    %dma_start3A = arith.constant 0 : i32
    %dma_start3A_3 = arith.constant 0 : i32
    %dma_start3A_4 = tpu.memref_slice %arg5[%dma_start3A, %dma_start3A_3] : memref<64x100xi32, #tpu.memory_space<vmem>> -> memref<1x100xi32, #tpu.memory_space<vmem>>
    %dma_start3A_5 = tpu.memref_squeeze %dma_start3A_4 : memref<1x100xi32, #tpu.memory_space<vmem>> -> memref<100xi32, #tpu.memory_space<vmem>>
    %dma_start3A_6 = arith.constant 0 : i32
    %dma_start3A_7 = arith.constant 0 : i32
    %dma_start3A_8 = tpu.memref_slice %arg2[%dma_start3A_6, %dma_start3A_7] : memref<100000x128xf32, #tpu.memory_space<hbm>> -> memref<100000x128xf32, #tpu.memory_space<hbm>>
    tpu.enqueue_indirect_dma source(%dma_start3A_8 : memref<100000x128xf32, #tpu.memory_space<hbm>>) target(%arg6 : memref<100x128xf32, #tpu.memory_space<vmem>>) offsets(%dma_start3A_5 : memref<100xi32, #tpu.memory_space<vmem>>) semaphore(%arg10 : memref<!tpu.dma_semaphore, #tpu.memory_space<semaphore_mem>>)
    %dma_start3A_9 = arith.constant 1 : i32
    %dma_start3A_10 = arith.constant 0 : i32
    %dma_start3A_11 = tpu.memref_slice %arg5[%dma_start3A_9, %dma_start3A_10] : memref<64x100xi32, #tpu.memory_space<vmem>> -> memref<1x100xi32, #tpu.memory_space<vmem>>
    %dma_start3A_12 = tpu.memref_squeeze %dma_start3A_11 : memref<1x100xi32, #tpu.memory_space<vmem>> -> memref<100xi32, #tpu.memory_space<vmem>>
    %dma_start3A_13 = arith.constant 0 : i32
    %dma_start3A_14 = arith.constant 0 : i32
    %dma_start3A_15 = tpu.memref_slice %arg2[%dma_start3A_13, %dma_start3A_14] : memref<100000x128xf32, #tpu.memory_space<hbm>> -> memref<100000x128xf32, #tpu.memory_space<hbm>>
    tpu.enqueue_indirect_dma source(%dma_start3A_15 : memref<100000x128xf32, #tpu.memory_space<hbm>>) target(%arg7 : memref<100x128xf32, #tpu.memory_space<vmem>>) offsets(%dma_start3A_12 : memref<100xi32, #tpu.memory_space<vmem>>) semaphore(%arg11 : memref<!tpu.dma_semaphore, #tpu.memory_space<semaphore_mem>>)
    %dma_start3A_16 = arith.constant 2 : i32
    %dma_start3A_17 = arith.constant 0 : i32
    %dma_start3A_18 = tpu.memref_slice %arg5[%dma_start3A_16, %dma_start3A_17] : memref<64x100xi32, #tpu.memory_space<vmem>> -> memref<1x100xi32, #tpu.memory_space<vmem>>
    %dma_start3A_19 = tpu.memref_squeeze %dma_start3A_18 : memref<1x100xi32, #tpu.memory_space<vmem>> -> memref<100xi32, #tpu.memory_space<vmem>>
    %dma_start3A_20 = arith.constant 0 : i32
    %dma_start3A_21 = arith.constant 0 : i32
    %dma_start3A_22 = tpu.memref_slice %arg2[%dma_start3A_20, %dma_start3A_21] : memref<100000x128xf32, #tpu.memory_space<hbm>> -> memref<100000x128xf32, #tpu.memory_space<hbm>>
    tpu.enqueue_indirect_dma source(%dma_start3A_22 : memref<100000x128xf32, #tpu.memory_space<hbm>>) target(%arg8 : memref<100x128xf32, #tpu.memory_space<vmem>>) offsets(%dma_start3A_19 : memref<100xi32, #tpu.memory_space<vmem>>) semaphore(%arg12 : memref<!tpu.dma_semaphore, #tpu.memory_space<semaphore_mem>>)
    %scan3A = arith.constant 0 : i32
    %scan3A_23 = arith.constant 16 : i32
    %scan3A_24 = arith.addi %scan3A, %scan3A_23 : i32
    %scan3A_25 = arith.constant 1 : i32
    scf.for %scan3A_56 = %scan3A to %scan3A_24 step %scan3A_25  : i32 {
      %mul3A_57 = arith.constant 1 : i32
      %mul3A_58 = arith.muli %scan3A_56, %mul3A_57 : i32
      %add3A_59 = arith.constant 0 : i32
      %add3A_60 = arith.addi %add3A_59, %mul3A_58 : i32
      %mul3A_61 = arith.constant 4 : i32
      %mul3A_62 = arith.muli %add3A_60, %mul3A_61 : i32
      %add3A_63 = arith.constant 0 : i32
      %add3A_64 = arith.addi %mul3A_62, %add3A_63 : i32
      %dma_wait3A_65 = arith.constant 0 : i32
      %dma_wait3A_66 = arith.constant 0 : i32
      %dma_wait3A_67 = tpu.memref_slice %arg5[%dma_wait3A_65, %dma_wait3A_66] : memref<64x100xi32, #tpu.memory_space<vmem>> -> memref<1x100xi32, #tpu.memory_space<vmem>>
      %dma_wait3A_68 = tpu.memref_squeeze %dma_wait3A_67 : memref<1x100xi32, #tpu.memory_space<vmem>> -> memref<100xi32, #tpu.memory_space<vmem>>
      %dma_wait3A_69 = arith.constant 0 : i32
      %dma_wait3A_70 = arith.constant 0 : i32
      %dma_wait3A_71 = tpu.memref_slice %arg2[%dma_wait3A_69, %dma_wait3A_70] : memref<100000x128xf32, #tpu.memory_space<hbm>> -> memref<100000x128xf32, #tpu.memory_space<hbm>>
      tpu.wait_indirect_dma semaphore(%arg10 : memref<!tpu.dma_semaphore, #tpu.memory_space<semaphore_mem>>) src(%dma_wait3A_71 : memref<100000x128xf32, #tpu.memory_space<hbm>>) dst(%arg6 : memref<100x128xf32, #tpu.memory_space<vmem>>)
      %mul3A_72 = arith.constant 2 : i32
      %mul3A_73 = arith.muli %add3A_64, %mul3A_72 : i32
      %add3A_74 = arith.addi %mul3A_2, %mul3A_73 : i32
      %add3A_75 = arith.constant 0 : i32
      %add3A_76 = arith.addi %add3A_74, %add3A_75 : i32
      %dma_start3A_77 = arith.constant 0 : i32
      %dma_start3A_78 = arith.constant 0 : i32
      %dma_start3A_79 = tpu.memref_slice %arg6[%dma_start3A_77, %dma_start3A_78] : memref<100x128xf32, #tpu.memory_space<vmem>> -> memref<50x128xf32, #tpu.memory_space<vmem>>
      %dma_start3A_80 = arith.constant 0 : i32
      %dma_start3A_81 = arith.constant 0 : i32
      %dma_start3A_82 = tpu.memref_slice %arg4[%add3A_76, %dma_start3A_80, %dma_start3A_81] : memref<4096x50x128xf32, #tpu.memory_space<hbm>> -> memref<1x50x128xf32, #tpu.memory_space<hbm>>
      %dma_start3A_83 = tpu.memref_squeeze %dma_start3A_82 : memref<1x50x128xf32, #tpu.memory_space<hbm>> -> memref<50x128xf32, #tpu.memory_space<hbm>>
      %dma_start3A_84 = arith.constant 0 : i32
      %dma_start3A_85 = arith.constant 0 : i32
      %dma_start3A_86 = tpu.memref_slice %arg4[%add3A_76, %dma_start3A_84, %dma_start3A_85] : memref<4096x50x128xf32, #tpu.memory_space<hbm>> -> memref<1x50x128xf32, #tpu.memory_space<hbm>>
      %dma_start3A_87 = tpu.memref_squeeze %dma_start3A_86 : memref<1x50x128xf32, #tpu.memory_space<hbm>> -> memref<50x128xf32, #tpu.memory_space<hbm>>
      %dma_start3A_88 = arith.constant 0 : i32
      %dma_start3A_89 = arith.constant 0 : i32
      %dma_start3A_90 = tpu.memref_slice %arg6[%dma_start3A_88, %dma_start3A_89] : memref<100x128xf32, #tpu.memory_space<vmem>> -> memref<50x128xf32, #tpu.memory_space<vmem>>
      tpu.enqueue_dma source(%dma_start3A_90 : memref<50x128xf32, #tpu.memory_space<vmem>>) target(%dma_start3A_87 : memref<50x128xf32, #tpu.memory_space<hbm>>) target_semaphore(%arg14 : memref<!tpu.dma_semaphore, #tpu.memory_space<semaphore_mem>>)
      %add3A_91 = arith.constant 1 : i32
      %add3A_92 = arith.addi %add3A_74, %add3A_91 : i32
      %dma_start3A_93 = arith.constant 50 : i32
      %dma_start3A_94 = arith.constant 0 : i32
      %dma_start3A_95 = tpu.memref_slice %arg6[%dma_start3A_93, %dma_start3A_94] : memref<100x128xf32, #tpu.memory_space<vmem>> -> memref<50x128xf32, #tpu.memory_space<vmem>>
      %dma_start3A_96 = arith.constant 0 : i32
      %dma_start3A_97 = arith.constant 0 : i32
      %dma_start3A_98 = tpu.memref_slice %arg4[%add3A_92, %dma_start3A_96, %dma_start3A_97] : memref<4096x50x128xf32, #tpu.memory_space<hbm>> -> memref<1x50x128xf32, #tpu.memory_space<hbm>>
      %dma_start3A_99 = tpu.memref_squeeze %dma_start3A_98 : memref<1x50x128xf32, #tpu.memory_space<hbm>> -> memref<50x128xf32, #tpu.memory_space<hbm>>
      %dma_start3A_100 = arith.constant 0 : i32
      %dma_start3A_101 = arith.constant 0 : i32
      %dma_start3A_102 = tpu.memref_slice %arg4[%add3A_92, %dma_start3A_100, %dma_start3A_101] : memref<4096x50x128xf32, #tpu.memory_space<hbm>> -> memref<1x50x128xf32, #tpu.memory_space<hbm>>
      %dma_start3A_103 = tpu.memref_squeeze %dma_start3A_102 : memref<1x50x128xf32, #tpu.memory_space<hbm>> -> memref<50x128xf32, #tpu.memory_space<hbm>>
      %dma_start3A_104 = arith.constant 50 : i32
      %dma_start3A_105 = arith.constant 0 : i32
      %dma_start3A_106 = tpu.memref_slice %arg6[%dma_start3A_104, %dma_start3A_105] : memref<100x128xf32, #tpu.memory_space<vmem>> -> memref<50x128xf32, #tpu.memory_space<vmem>>
      tpu.enqueue_dma source(%dma_start3A_106 : memref<50x128xf32, #tpu.memory_space<vmem>>) target(%dma_start3A_103 : memref<50x128xf32, #tpu.memory_space<hbm>>) target_semaphore(%arg14 : memref<!tpu.dma_semaphore, #tpu.memory_space<semaphore_mem>>)
      %add3A_107 = arith.constant 4 : i32
      %add3A_108 = arith.addi %add3A_64, %add3A_107 : i32
      %sub3A = arith.constant 1 : i32
      %sub3A_109 = arith.subi %add3A_108, %sub3A : i32
      %gt3A = arith.constant 0 : i32
      %gt3A_110 = arith.cmpi sgt, %add3A_60, %gt3A : i32
      %convert_element_type3A = arith.extui %gt3A_110 : i1 to i32
      %cond3A = arith.constant 0 : i32
      %cond3A_111 = arith.cmpi ne, %convert_element_type3A, %cond3A : i32
      scf.if %cond3A_111 {
        %dma_wait3A_372 = arith.constant 0 : i32
        %dma_wait3A_373 = arith.constant 0 : i32
        %dma_wait3A_374 = arith.constant 0 : i32
        %dma_wait3A_375 = tpu.memref_slice %arg9[%dma_wait3A_373, %dma_wait3A_374] : memref<100x128xf32, #tpu.memory_space<vmem>> -> memref<50x128xf32, #tpu.memory_space<vmem>>
        %dma_wait3A_376 = arith.constant 0 : i32
        %dma_wait3A_377 = arith.constant 0 : i32
        %dma_wait3A_378 = tpu.memref_slice %arg4[%dma_wait3A_372, %dma_wait3A_376, %dma_wait3A_377] : memref<4096x50x128xf32, #tpu.memory_space<hbm>> -> memref<1x50x128xf32, #tpu.memory_space<hbm>>
        %dma_wait3A_379 = tpu.memref_squeeze %dma_wait3A_378 : memref<1x50x128xf32, #tpu.memory_space<hbm>> -> memref<50x128xf32, #tpu.memory_space<hbm>>
        %dma_wait3A_380 = arith.constant 0 : i32
        %dma_wait3A_381 = arith.constant 0 : i32
        %dma_wait3A_382 = tpu.memref_slice %arg4[%dma_wait3A_372, %dma_wait3A_380, %dma_wait3A_381] : memref<4096x50x128xf32, #tpu.memory_space<hbm>> -> memref<1x50x128xf32, #tpu.memory_space<hbm>>
        %dma_wait3A_383 = tpu.memref_squeeze %dma_wait3A_382 : memref<1x50x128xf32, #tpu.memory_space<hbm>> -> memref<50x128xf32, #tpu.memory_space<hbm>>
        %dma_wait3A_384 = arith.constant 0 : i32
        %dma_wait3A_385 = arith.constant 0 : i32
        %dma_wait3A_386 = tpu.memref_slice %arg9[%dma_wait3A_384, %dma_wait3A_385] : memref<100x128xf32, #tpu.memory_space<vmem>> -> memref<50x128xf32, #tpu.memory_space<vmem>>
        tpu.wait_dma2 semaphore(%arg17 : memref<!tpu.dma_semaphore, #tpu.memory_space<semaphore_mem>>) src(%dma_wait3A_386 : memref<50x128xf32, #tpu.memory_space<vmem>>) dst(%dma_wait3A_383 : memref<50x128xf32, #tpu.memory_space<hbm>>)
        %dma_wait3A_387 = arith.constant 0 : i32
        %dma_wait3A_388 = arith.constant 0 : i32
        %dma_wait3A_389 = arith.constant 0 : i32
        %dma_wait3A_390 = tpu.memref_slice %arg9[%dma_wait3A_388, %dma_wait3A_389] : memref<100x128xf32, #tpu.memory_space<vmem>> -> memref<50x128xf32, #tpu.memory_space<vmem>>
        %dma_wait3A_391 = arith.constant 0 : i32
        %dma_wait3A_392 = arith.constant 0 : i32
        %dma_wait3A_393 = tpu.memref_slice %arg4[%dma_wait3A_387, %dma_wait3A_391, %dma_wait3A_392] : memref<4096x50x128xf32, #tpu.memory_space<hbm>> -> memref<1x50x128xf32, #tpu.memory_space<hbm>>
        %dma_wait3A_394 = tpu.memref_squeeze %dma_wait3A_393 : memref<1x50x128xf32, #tpu.memory_space<hbm>> -> memref<50x128xf32, #tpu.memory_space<hbm>>
        %dma_wait3A_395 = arith.constant 0 : i32
        %dma_wait3A_396 = arith.constant 0 : i32
        %dma_wait3A_397 = tpu.memref_slice %arg4[%dma_wait3A_387, %dma_wait3A_395, %dma_wait3A_396] : memref<4096x50x128xf32, #tpu.memory_space<hbm>> -> memref<1x50x128xf32, #tpu.memory_space<hbm>>
        %dma_wait3A_398 = tpu.memref_squeeze %dma_wait3A_397 : memref<1x50x128xf32, #tpu.memory_space<hbm>> -> memref<50x128xf32, #tpu.memory_space<hbm>>
        %dma_wait3A_399 = arith.constant 0 : i32
        %dma_wait3A_400 = arith.constant 0 : i32
        %dma_wait3A_401 = tpu.memref_slice %arg9[%dma_wait3A_399, %dma_wait3A_400] : memref<100x128xf32, #tpu.memory_space<vmem>> -> memref<50x128xf32, #tpu.memory_space<vmem>>
        tpu.wait_dma2 semaphore(%arg17 : memref<!tpu.dma_semaphore, #tpu.memory_space<semaphore_mem>>) src(%dma_wait3A_401 : memref<50x128xf32, #tpu.memory_space<vmem>>) dst(%dma_wait3A_398 : memref<50x128xf32, #tpu.memory_space<hbm>>)
      } else {
      }
      %dma_start3A_112 = arith.constant 0 : i32
      %dma_start3A_113 = tpu.memref_slice %arg5[%sub3A_109, %dma_start3A_112] : memref<64x100xi32, #tpu.memory_space<vmem>> -> memref<1x100xi32, #tpu.memory_space<vmem>>
      %dma_start3A_114 = tpu.memref_squeeze %dma_start3A_113 : memref<1x100xi32, #tpu.memory_space<vmem>> -> memref<100xi32, #tpu.memory_space<vmem>>
      %dma_start3A_115 = arith.constant 0 : i32
      %dma_start3A_116 = arith.constant 0 : i32
      %dma_start3A_117 = tpu.memref_slice %arg2[%dma_start3A_115, %dma_start3A_116] : memref<100000x128xf32, #tpu.memory_space<hbm>> -> memref<100000x128xf32, #tpu.memory_space<hbm>>
      tpu.enqueue_indirect_dma source(%dma_start3A_117 : memref<100000x128xf32, #tpu.memory_space<hbm>>) target(%arg9 : memref<100x128xf32, #tpu.memory_space<vmem>>) offsets(%dma_start3A_114 : memref<100xi32, #tpu.memory_space<vmem>>) semaphore(%arg13 : memref<!tpu.dma_semaphore, #tpu.memory_space<semaphore_mem>>)
      %mul3A_118 = arith.constant 4 : i32
      %mul3A_119 = arith.muli %add3A_60, %mul3A_118 : i32
      %add3A_120 = arith.constant 1 : i32
      %add3A_121 = arith.addi %mul3A_119, %add3A_120 : i32
      %dma_wait3A_122 = arith.constant 0 : i32
      %dma_wait3A_123 = arith.constant 0 : i32
      %dma_wait3A_124 = tpu.memref_slice %arg5[%dma_wait3A_122, %dma_wait3A_123] : memref<64x100xi32, #tpu.memory_space<vmem>> -> memref<1x100xi32, #tpu.memory_space<vmem>>
      %dma_wait3A_125 = tpu.memref_squeeze %dma_wait3A_124 : memref<1x100xi32, #tpu.memory_space<vmem>> -> memref<100xi32, #tpu.memory_space<vmem>>
      %dma_wait3A_126 = arith.constant 0 : i32
      %dma_wait3A_127 = arith.constant 0 : i32
      %dma_wait3A_128 = tpu.memref_slice %arg2[%dma_wait3A_126, %dma_wait3A_127] : memref<100000x128xf32, #tpu.memory_space<hbm>> -> memref<100000x128xf32, #tpu.memory_space<hbm>>
      tpu.wait_indirect_dma semaphore(%arg11 : memref<!tpu.dma_semaphore, #tpu.memory_space<semaphore_mem>>) src(%dma_wait3A_128 : memref<100000x128xf32, #tpu.memory_space<hbm>>) dst(%arg7 : memref<100x128xf32, #tpu.memory_space<vmem>>)
      %mul3A_129 = arith.constant 2 : i32
      %mul3A_130 = arith.muli %add3A_121, %mul3A_129 : i32
      %add3A_131 = arith.addi %mul3A_2, %mul3A_130 : i32
      %add3A_132 = arith.constant 0 : i32
      %add3A_133 = arith.addi %add3A_131, %add3A_132 : i32
      %dma_start3A_134 = arith.constant 0 : i32
      %dma_start3A_135 = arith.constant 0 : i32
      %dma_start3A_136 = tpu.memref_slice %arg7[%dma_start3A_134, %dma_start3A_135] : memref<100x128xf32, #tpu.memory_space<vmem>> -> memref<50x128xf32, #tpu.memory_space<vmem>>
      %dma_start3A_137 = arith.constant 0 : i32
      %dma_start3A_138 = arith.constant 0 : i32
      %dma_start3A_139 = tpu.memref_slice %arg4[%add3A_133, %dma_start3A_137, %dma_start3A_138] : memref<4096x50x128xf32, #tpu.memory_space<hbm>> -> memref<1x50x128xf32, #tpu.memory_space<hbm>>
      %dma_start3A_140 = tpu.memref_squeeze %dma_start3A_139 : memref<1x50x128xf32, #tpu.memory_space<hbm>> -> memref<50x128xf32, #tpu.memory_space<hbm>>
      %dma_start3A_141 = arith.constant 0 : i32
      %dma_start3A_142 = arith.constant 0 : i32
      %dma_start3A_143 = tpu.memref_slice %arg4[%add3A_133, %dma_start3A_141, %dma_start3A_142] : memref<4096x50x128xf32, #tpu.memory_space<hbm>> -> memref<1x50x128xf32, #tpu.memory_space<hbm>>
      %dma_start3A_144 = tpu.memref_squeeze %dma_start3A_143 : memref<1x50x128xf32, #tpu.memory_space<hbm>> -> memref<50x128xf32, #tpu.memory_space<hbm>>
      %dma_start3A_145 = arith.constant 0 : i32
      %dma_start3A_146 = arith.constant 0 : i32
      %dma_start3A_147 = tpu.memref_slice %arg7[%dma_start3A_145, %dma_start3A_146] : memref<100x128xf32, #tpu.memory_space<vmem>> -> memref<50x128xf32, #tpu.memory_space<vmem>>
      tpu.enqueue_dma source(%dma_start3A_147 : memref<50x128xf32, #tpu.memory_space<vmem>>) target(%dma_start3A_144 : memref<50x128xf32, #tpu.memory_space<hbm>>) target_semaphore(%arg15 : memref<!tpu.dma_semaphore, #tpu.memory_space<semaphore_mem>>)
      %add3A_148 = arith.constant 1 : i32
      %add3A_149 = arith.addi %add3A_131, %add3A_148 : i32
      %dma_start3A_150 = arith.constant 50 : i32
      %dma_start3A_151 = arith.constant 0 : i32
      %dma_start3A_152 = tpu.memref_slice %arg7[%dma_start3A_150, %dma_start3A_151] : memref<100x128xf32, #tpu.memory_space<vmem>> -> memref<50x128xf32, #tpu.memory_space<vmem>>
      %dma_start3A_153 = arith.constant 0 : i32
      %dma_start3A_154 = arith.constant 0 : i32
      %dma_start3A_155 = tpu.memref_slice %arg4[%add3A_149, %dma_start3A_153, %dma_start3A_154] : memref<4096x50x128xf32, #tpu.memory_space<hbm>> -> memref<1x50x128xf32, #tpu.memory_space<hbm>>
      %dma_start3A_156 = tpu.memref_squeeze %dma_start3A_155 : memref<1x50x128xf32, #tpu.memory_space<hbm>> -> memref<50x128xf32, #tpu.memory_space<hbm>>
      %dma_start3A_157 = arith.constant 0 : i32
      %dma_start3A_158 = arith.constant 0 : i32
      %dma_start3A_159 = tpu.memref_slice %arg4[%add3A_149, %dma_start3A_157, %dma_start3A_158] : memref<4096x50x128xf32, #tpu.memory_space<hbm>> -> memref<1x50x128xf32, #tpu.memory_space<hbm>>
      %dma_start3A_160 = tpu.memref_squeeze %dma_start3A_159 : memref<1x50x128xf32, #tpu.memory_space<hbm>> -> memref<50x128xf32, #tpu.memory_space<hbm>>
      %dma_start3A_161 = arith.constant 50 : i32
      %dma_start3A_162 = arith.constant 0 : i32
      %dma_start3A_163 = tpu.memref_slice %arg7[%dma_start3A_161, %dma_start3A_162] : memref<100x128xf32, #tpu.memory_space<vmem>> -> memref<50x128xf32, #tpu.memory_space<vmem>>
      tpu.enqueue_dma source(%dma_start3A_163 : memref<50x128xf32, #tpu.memory_space<vmem>>) target(%dma_start3A_160 : memref<50x128xf32, #tpu.memory_space<hbm>>) target_semaphore(%arg15 : memref<!tpu.dma_semaphore, #tpu.memory_space<semaphore_mem>>)
      %add3A_164 = arith.constant 4 : i32
      %add3A_165 = arith.addi %add3A_121, %add3A_164 : i32
      %sub3A_166 = arith.constant 1 : i32
      %sub3A_167 = arith.subi %add3A_165, %sub3A_166 : i32
      %dma_wait3A_168 = arith.constant 0 : i32
      %dma_wait3A_169 = arith.constant 0 : i32
      %dma_wait3A_170 = arith.constant 0 : i32
      %dma_wait3A_171 = tpu.memref_slice %arg6[%dma_wait3A_169, %dma_wait3A_170] : memref<100x128xf32, #tpu.memory_space<vmem>> -> memref<50x128xf32, #tpu.memory_space<vmem>>
      %dma_wait3A_172 = arith.constant 0 : i32
      %dma_wait3A_173 = arith.constant 0 : i32
      %dma_wait3A_174 = tpu.memref_slice %arg4[%dma_wait3A_168, %dma_wait3A_172, %dma_wait3A_173] : memref<4096x50x128xf32, #tpu.memory_space<hbm>> -> memref<1x50x128xf32, #tpu.memory_space<hbm>>
      %dma_wait3A_175 = tpu.memref_squeeze %dma_wait3A_174 : memref<1x50x128xf32, #tpu.memory_space<hbm>> -> memref<50x128xf32, #tpu.memory_space<hbm>>
      %dma_wait3A_176 = arith.constant 0 : i32
      %dma_wait3A_177 = arith.constant 0 : i32
      %dma_wait3A_178 = tpu.memref_slice %arg4[%dma_wait3A_168, %dma_wait3A_176, %dma_wait3A_177] : memref<4096x50x128xf32, #tpu.memory_space<hbm>> -> memref<1x50x128xf32, #tpu.memory_space<hbm>>
      %dma_wait3A_179 = tpu.memref_squeeze %dma_wait3A_178 : memref<1x50x128xf32, #tpu.memory_space<hbm>> -> memref<50x128xf32, #tpu.memory_space<hbm>>
      %dma_wait3A_180 = arith.constant 0 : i32
      %dma_wait3A_181 = arith.constant 0 : i32
      %dma_wait3A_182 = tpu.memref_slice %arg6[%dma_wait3A_180, %dma_wait3A_181] : memref<100x128xf32, #tpu.memory_space<vmem>> -> memref<50x128xf32, #tpu.memory_space<vmem>>
      tpu.wait_dma2 semaphore(%arg14 : memref<!tpu.dma_semaphore, #tpu.memory_space<semaphore_mem>>) src(%dma_wait3A_182 : memref<50x128xf32, #tpu.memory_space<vmem>>) dst(%dma_wait3A_179 : memref<50x128xf32, #tpu.memory_space<hbm>>)
      %dma_wait3A_183 = arith.constant 0 : i32
      %dma_wait3A_184 = arith.constant 0 : i32
      %dma_wait3A_185 = arith.constant 0 : i32
      %dma_wait3A_186 = tpu.memref_slice %arg6[%dma_wait3A_184, %dma_wait3A_185] : memref<100x128xf32, #tpu.memory_space<vmem>> -> memref<50x128xf32, #tpu.memory_space<vmem>>
      %dma_wait3A_187 = arith.constant 0 : i32
      %dma_wait3A_188 = arith.constant 0 : i32
      %dma_wait3A_189 = tpu.memref_slice %arg4[%dma_wait3A_183, %dma_wait3A_187, %dma_wait3A_188] : memref<4096x50x128xf32, #tpu.memory_space<hbm>> -> memref<1x50x128xf32, #tpu.memory_space<hbm>>
      %dma_wait3A_190 = tpu.memref_squeeze %dma_wait3A_189 : memref<1x50x128xf32, #tpu.memory_space<hbm>> -> memref<50x128xf32, #tpu.memory_space<hbm>>
      %dma_wait3A_191 = arith.constant 0 : i32
      %dma_wait3A_192 = arith.constant 0 : i32
      %dma_wait3A_193 = tpu.memref_slice %arg4[%dma_wait3A_183, %dma_wait3A_191, %dma_wait3A_192] : memref<4096x50x128xf32, #tpu.memory_space<hbm>> -> memref<1x50x128xf32, #tpu.memory_space<hbm>>
      %dma_wait3A_194 = tpu.memref_squeeze %dma_wait3A_193 : memref<1x50x128xf32, #tpu.memory_space<hbm>> -> memref<50x128xf32, #tpu.memory_space<hbm>>
      %dma_wait3A_195 = arith.constant 0 : i32
      %dma_wait3A_196 = arith.constant 0 : i32
      %dma_wait3A_197 = tpu.memref_slice %arg6[%dma_wait3A_195, %dma_wait3A_196] : memref<100x128xf32, #tpu.memory_space<vmem>> -> memref<50x128xf32, #tpu.memory_space<vmem>>
      tpu.wait_dma2 semaphore(%arg14 : memref<!tpu.dma_semaphore, #tpu.memory_space<semaphore_mem>>) src(%dma_wait3A_197 : memref<50x128xf32, #tpu.memory_space<vmem>>) dst(%dma_wait3A_194 : memref<50x128xf32, #tpu.memory_space<hbm>>)
      %lt3A = arith.constant 64 : i32
      %lt3A_198 = arith.cmpi slt, %sub3A_167, %lt3A : i32
      %convert_element_type3A_199 = arith.extui %lt3A_198 : i1 to i32
      %cond3A_200 = arith.constant 0 : i32
      %cond3A_201 = arith.cmpi ne, %convert_element_type3A_199, %cond3A_200 : i32
      scf.if %cond3A_201 {
        %dma_start3A_372 = arith.constant 0 : i32
        %dma_start3A_373 = tpu.memref_slice %arg5[%sub3A_167, %dma_start3A_372] : memref<64x100xi32, #tpu.memory_space<vmem>> -> memref<1x100xi32, #tpu.memory_space<vmem>>
        %dma_start3A_374 = tpu.memref_squeeze %dma_start3A_373 : memref<1x100xi32, #tpu.memory_space<vmem>> -> memref<100xi32, #tpu.memory_space<vmem>>
        %dma_start3A_375 = arith.constant 0 : i32
        %dma_start3A_376 = arith.constant 0 : i32
        %dma_start3A_377 = tpu.memref_slice %arg2[%dma_start3A_375, %dma_start3A_376] : memref<100000x128xf32, #tpu.memory_space<hbm>> -> memref<100000x128xf32, #tpu.memory_space<hbm>>
        tpu.enqueue_indirect_dma source(%dma_start3A_377 : memref<100000x128xf32, #tpu.memory_space<hbm>>) target(%arg6 : memref<100x128xf32, #tpu.memory_space<vmem>>) offsets(%dma_start3A_374 : memref<100xi32, #tpu.memory_space<vmem>>) semaphore(%arg10 : memref<!tpu.dma_semaphore, #tpu.memory_space<semaphore_mem>>)
      } else {
      }
      %mul3A_202 = arith.constant 4 : i32
      %mul3A_203 = arith.muli %add3A_60, %mul3A_202 : i32
      %add3A_204 = arith.constant 2 : i32
      %add3A_205 = arith.addi %mul3A_203, %add3A_204 : i32
      %dma_wait3A_206 = arith.constant 0 : i32
      %dma_wait3A_207 = arith.constant 0 : i32
      %dma_wait3A_208 = tpu.memref_slice %arg5[%dma_wait3A_206, %dma_wait3A_207] : memref<64x100xi32, #tpu.memory_space<vmem>> -> memref<1x100xi32, #tpu.memory_space<vmem>>
      %dma_wait3A_209 = tpu.memref_squeeze %dma_wait3A_208 : memref<1x100xi32, #tpu.memory_space<vmem>> -> memref<100xi32, #tpu.memory_space<vmem>>
      %dma_wait3A_210 = arith.constant 0 : i32
      %dma_wait3A_211 = arith.constant 0 : i32
      %dma_wait3A_212 = tpu.memref_slice %arg2[%dma_wait3A_210, %dma_wait3A_211] : memref<100000x128xf32, #tpu.memory_space<hbm>> -> memref<100000x128xf32, #tpu.memory_space<hbm>>
      tpu.wait_indirect_dma semaphore(%arg12 : memref<!tpu.dma_semaphore, #tpu.memory_space<semaphore_mem>>) src(%dma_wait3A_212 : memref<100000x128xf32, #tpu.memory_space<hbm>>) dst(%arg8 : memref<100x128xf32, #tpu.memory_space<vmem>>)
      %mul3A_213 = arith.constant 2 : i32
      %mul3A_214 = arith.muli %add3A_205, %mul3A_213 : i32
      %add3A_215 = arith.addi %mul3A_2, %mul3A_214 : i32
      %add3A_216 = arith.constant 0 : i32
      %add3A_217 = arith.addi %add3A_215, %add3A_216 : i32
      %dma_start3A_218 = arith.constant 0 : i32
      %dma_start3A_219 = arith.constant 0 : i32
      %dma_start3A_220 = tpu.memref_slice %arg8[%dma_start3A_218, %dma_start3A_219] : memref<100x128xf32, #tpu.memory_space<vmem>> -> memref<50x128xf32, #tpu.memory_space<vmem>>
      %dma_start3A_221 = arith.constant 0 : i32
      %dma_start3A_222 = arith.constant 0 : i32
      %dma_start3A_223 = tpu.memref_slice %arg4[%add3A_217, %dma_start3A_221, %dma_start3A_222] : memref<4096x50x128xf32, #tpu.memory_space<hbm>> -> memref<1x50x128xf32, #tpu.memory_space<hbm>>
      %dma_start3A_224 = tpu.memref_squeeze %dma_start3A_223 : memref<1x50x128xf32, #tpu.memory_space<hbm>> -> memref<50x128xf32, #tpu.memory_space<hbm>>
      %dma_start3A_225 = arith.constant 0 : i32
      %dma_start3A_226 = arith.constant 0 : i32
      %dma_start3A_227 = tpu.memref_slice %arg4[%add3A_217, %dma_start3A_225, %dma_start3A_226] : memref<4096x50x128xf32, #tpu.memory_space<hbm>> -> memref<1x50x128xf32, #tpu.memory_space<hbm>>
      %dma_start3A_228 = tpu.memref_squeeze %dma_start3A_227 : memref<1x50x128xf32, #tpu.memory_space<hbm>> -> memref<50x128xf32, #tpu.memory_space<hbm>>
      %dma_start3A_229 = arith.constant 0 : i32
      %dma_start3A_230 = arith.constant 0 : i32
      %dma_start3A_231 = tpu.memref_slice %arg8[%dma_start3A_229, %dma_start3A_230] : memref<100x128xf32, #tpu.memory_space<vmem>> -> memref<50x128xf32, #tpu.memory_space<vmem>>
      tpu.enqueue_dma source(%dma_start3A_231 : memref<50x128xf32, #tpu.memory_space<vmem>>) target(%dma_start3A_228 : memref<50x128xf32, #tpu.memory_space<hbm>>) target_semaphore(%arg16 : memref<!tpu.dma_semaphore, #tpu.memory_space<semaphore_mem>>)
      %add3A_232 = arith.constant 1 : i32
      %add3A_233 = arith.addi %add3A_215, %add3A_232 : i32
      %dma_start3A_234 = arith.constant 50 : i32
      %dma_start3A_235 = arith.constant 0 : i32
      %dma_start3A_236 = tpu.memref_slice %arg8[%dma_start3A_234, %dma_start3A_235] : memref<100x128xf32, #tpu.memory_space<vmem>> -> memref<50x128xf32, #tpu.memory_space<vmem>>
      %dma_start3A_237 = arith.constant 0 : i32
      %dma_start3A_238 = arith.constant 0 : i32
      %dma_start3A_239 = tpu.memref_slice %arg4[%add3A_233, %dma_start3A_237, %dma_start3A_238] : memref<4096x50x128xf32, #tpu.memory_space<hbm>> -> memref<1x50x128xf32, #tpu.memory_space<hbm>>
      %dma_start3A_240 = tpu.memref_squeeze %dma_start3A_239 : memref<1x50x128xf32, #tpu.memory_space<hbm>> -> memref<50x128xf32, #tpu.memory_space<hbm>>
      %dma_start3A_241 = arith.constant 0 : i32
      %dma_start3A_242 = arith.constant 0 : i32
      %dma_start3A_243 = tpu.memref_slice %arg4[%add3A_233, %dma_start3A_241, %dma_start3A_242] : memref<4096x50x128xf32, #tpu.memory_space<hbm>> -> memref<1x50x128xf32, #tpu.memory_space<hbm>>
      %dma_start3A_244 = tpu.memref_squeeze %dma_start3A_243 : memref<1x50x128xf32, #tpu.memory_space<hbm>> -> memref<50x128xf32, #tpu.memory_space<hbm>>
      %dma_start3A_245 = arith.constant 50 : i32
      %dma_start3A_246 = arith.constant 0 : i32
      %dma_start3A_247 = tpu.memref_slice %arg8[%dma_start3A_245, %dma_start3A_246] : memref<100x128xf32, #tpu.memory_space<vmem>> -> memref<50x128xf32, #tpu.memory_space<vmem>>
      tpu.enqueue_dma source(%dma_start3A_247 : memref<50x128xf32, #tpu.memory_space<vmem>>) target(%dma_start3A_244 : memref<50x128xf32, #tpu.memory_space<hbm>>) target_semaphore(%arg16 : memref<!tpu.dma_semaphore, #tpu.memory_space<semaphore_mem>>)
      %add3A_248 = arith.constant 4 : i32
      %add3A_249 = arith.addi %add3A_205, %add3A_248 : i32
      %sub3A_250 = arith.constant 1 : i32
      %sub3A_251 = arith.subi %add3A_249, %sub3A_250 : i32
      %dma_wait3A_252 = arith.constant 0 : i32
      %dma_wait3A_253 = arith.constant 0 : i32
      %dma_wait3A_254 = arith.constant 0 : i32
      %dma_wait3A_255 = tpu.memref_slice %arg7[%dma_wait3A_253, %dma_wait3A_254] : memref<100x128xf32, #tpu.memory_space<vmem>> -> memref<50x128xf32, #tpu.memory_space<vmem>>
      %dma_wait3A_256 = arith.constant 0 : i32
      %dma_wait3A_257 = arith.constant 0 : i32
      %dma_wait3A_258 = tpu.memref_slice %arg4[%dma_wait3A_252, %dma_wait3A_256, %dma_wait3A_257] : memref<4096x50x128xf32, #tpu.memory_space<hbm>> -> memref<1x50x128xf32, #tpu.memory_space<hbm>>
      %dma_wait3A_259 = tpu.memref_squeeze %dma_wait3A_258 : memref<1x50x128xf32, #tpu.memory_space<hbm>> -> memref<50x128xf32, #tpu.memory_space<hbm>>
      %dma_wait3A_260 = arith.constant 0 : i32
      %dma_wait3A_261 = arith.constant 0 : i32
      %dma_wait3A_262 = tpu.memref_slice %arg4[%dma_wait3A_252, %dma_wait3A_260, %dma_wait3A_261] : memref<4096x50x128xf32, #tpu.memory_space<hbm>> -> memref<1x50x128xf32, #tpu.memory_space<hbm>>
      %dma_wait3A_263 = tpu.memref_squeeze %dma_wait3A_262 : memref<1x50x128xf32, #tpu.memory_space<hbm>> -> memref<50x128xf32, #tpu.memory_space<hbm>>
      %dma_wait3A_264 = arith.constant 0 : i32
      %dma_wait3A_265 = arith.constant 0 : i32
      %dma_wait3A_266 = tpu.memref_slice %arg7[%dma_wait3A_264, %dma_wait3A_265] : memref<100x128xf32, #tpu.memory_space<vmem>> -> memref<50x128xf32, #tpu.memory_space<vmem>>
      tpu.wait_dma2 semaphore(%arg15 : memref<!tpu.dma_semaphore, #tpu.memory_space<semaphore_mem>>) src(%dma_wait3A_266 : memref<50x128xf32, #tpu.memory_space<vmem>>) dst(%dma_wait3A_263 : memref<50x128xf32, #tpu.memory_space<hbm>>)
      %dma_wait3A_267 = arith.constant 0 : i32
      %dma_wait3A_268 = arith.constant 0 : i32
      %dma_wait3A_269 = arith.constant 0 : i32
      %dma_wait3A_270 = tpu.memref_slice %arg7[%dma_wait3A_268, %dma_wait3A_269] : memref<100x128xf32, #tpu.memory_space<vmem>> -> memref<50x128xf32, #tpu.memory_space<vmem>>
      %dma_wait3A_271 = arith.constant 0 : i32
      %dma_wait3A_272 = arith.constant 0 : i32
      %dma_wait3A_273 = tpu.memref_slice %arg4[%dma_wait3A_267, %dma_wait3A_271, %dma_wait3A_272] : memref<4096x50x128xf32, #tpu.memory_space<hbm>> -> memref<1x50x128xf32, #tpu.memory_space<hbm>>
      %dma_wait3A_274 = tpu.memref_squeeze %dma_wait3A_273 : memref<1x50x128xf32, #tpu.memory_space<hbm>> -> memref<50x128xf32, #tpu.memory_space<hbm>>
      %dma_wait3A_275 = arith.constant 0 : i32
      %dma_wait3A_276 = arith.constant 0 : i32
      %dma_wait3A_277 = tpu.memref_slice %arg4[%dma_wait3A_267, %dma_wait3A_275, %dma_wait3A_276] : memref<4096x50x128xf32, #tpu.memory_space<hbm>> -> memref<1x50x128xf32, #tpu.memory_space<hbm>>
      %dma_wait3A_278 = tpu.memref_squeeze %dma_wait3A_277 : memref<1x50x128xf32, #tpu.memory_space<hbm>> -> memref<50x128xf32, #tpu.memory_space<hbm>>
      %dma_wait3A_279 = arith.constant 0 : i32
      %dma_wait3A_280 = arith.constant 0 : i32
      %dma_wait3A_281 = tpu.memref_slice %arg7[%dma_wait3A_279, %dma_wait3A_280] : memref<100x128xf32, #tpu.memory_space<vmem>> -> memref<50x128xf32, #tpu.memory_space<vmem>>
      tpu.wait_dma2 semaphore(%arg15 : memref<!tpu.dma_semaphore, #tpu.memory_space<semaphore_mem>>) src(%dma_wait3A_281 : memref<50x128xf32, #tpu.memory_space<vmem>>) dst(%dma_wait3A_278 : memref<50x128xf32, #tpu.memory_space<hbm>>)
      %lt3A_282 = arith.constant 64 : i32
      %lt3A_283 = arith.cmpi slt, %sub3A_251, %lt3A_282 : i32
      %convert_element_type3A_284 = arith.extui %lt3A_283 : i1 to i32
      %cond3A_285 = arith.constant 0 : i32
      %cond3A_286 = arith.cmpi ne, %convert_element_type3A_284, %cond3A_285 : i32
      scf.if %cond3A_286 {
        %dma_start3A_372 = arith.constant 0 : i32
        %dma_start3A_373 = tpu.memref_slice %arg5[%sub3A_251, %dma_start3A_372] : memref<64x100xi32, #tpu.memory_space<vmem>> -> memref<1x100xi32, #tpu.memory_space<vmem>>
        %dma_start3A_374 = tpu.memref_squeeze %dma_start3A_373 : memref<1x100xi32, #tpu.memory_space<vmem>> -> memref<100xi32, #tpu.memory_space<vmem>>
        %dma_start3A_375 = arith.constant 0 : i32
        %dma_start3A_376 = arith.constant 0 : i32
        %dma_start3A_377 = tpu.memref_slice %arg2[%dma_start3A_375, %dma_start3A_376] : memref<100000x128xf32, #tpu.memory_space<hbm>> -> memref<100000x128xf32, #tpu.memory_space<hbm>>
        tpu.enqueue_indirect_dma source(%dma_start3A_377 : memref<100000x128xf32, #tpu.memory_space<hbm>>) target(%arg7 : memref<100x128xf32, #tpu.memory_space<vmem>>) offsets(%dma_start3A_374 : memref<100xi32, #tpu.memory_space<vmem>>) semaphore(%arg11 : memref<!tpu.dma_semaphore, #tpu.memory_space<semaphore_mem>>)
      } else {
      }
      %mul3A_287 = arith.constant 4 : i32
      %mul3A_288 = arith.muli %add3A_60, %mul3A_287 : i32
      %add3A_289 = arith.constant 3 : i32
      %add3A_290 = arith.addi %mul3A_288, %add3A_289 : i32
      %dma_wait3A_291 = arith.constant 0 : i32
      %dma_wait3A_292 = arith.constant 0 : i32
      %dma_wait3A_293 = tpu.memref_slice %arg5[%dma_wait3A_291, %dma_wait3A_292] : memref<64x100xi32, #tpu.memory_space<vmem>> -> memref<1x100xi32, #tpu.memory_space<vmem>>
      %dma_wait3A_294 = tpu.memref_squeeze %dma_wait3A_293 : memref<1x100xi32, #tpu.memory_space<vmem>> -> memref<100xi32, #tpu.memory_space<vmem>>
      %dma_wait3A_295 = arith.constant 0 : i32
      %dma_wait3A_296 = arith.constant 0 : i32
      %dma_wait3A_297 = tpu.memref_slice %arg2[%dma_wait3A_295, %dma_wait3A_296] : memref<100000x128xf32, #tpu.memory_space<hbm>> -> memref<100000x128xf32, #tpu.memory_space<hbm>>
      tpu.wait_indirect_dma semaphore(%arg13 : memref<!tpu.dma_semaphore, #tpu.memory_space<semaphore_mem>>) src(%dma_wait3A_297 : memref<100000x128xf32, #tpu.memory_space<hbm>>) dst(%arg9 : memref<100x128xf32, #tpu.memory_space<vmem>>)
      %mul3A_298 = arith.constant 2 : i32
      %mul3A_299 = arith.muli %add3A_290, %mul3A_298 : i32
      %add3A_300 = arith.addi %mul3A_2, %mul3A_299 : i32
      %add3A_301 = arith.constant 0 : i32
      %add3A_302 = arith.addi %add3A_300, %add3A_301 : i32
      %dma_start3A_303 = arith.constant 0 : i32
      %dma_start3A_304 = arith.constant 0 : i32
      %dma_start3A_305 = tpu.memref_slice %arg9[%dma_start3A_303, %dma_start3A_304] : memref<100x128xf32, #tpu.memory_space<vmem>> -> memref<50x128xf32, #tpu.memory_space<vmem>>
      %dma_start3A_306 = arith.constant 0 : i32
      %dma_start3A_307 = arith.constant 0 : i32
      %dma_start3A_308 = tpu.memref_slice %arg4[%add3A_302, %dma_start3A_306, %dma_start3A_307] : memref<4096x50x128xf32, #tpu.memory_space<hbm>> -> memref<1x50x128xf32, #tpu.memory_space<hbm>>
      %dma_start3A_309 = tpu.memref_squeeze %dma_start3A_308 : memref<1x50x128xf32, #tpu.memory_space<hbm>> -> memref<50x128xf32, #tpu.memory_space<hbm>>
      %dma_start3A_310 = arith.constant 0 : i32
      %dma_start3A_311 = arith.constant 0 : i32
      %dma_start3A_312 = tpu.memref_slice %arg4[%add3A_302, %dma_start3A_310, %dma_start3A_311] : memref<4096x50x128xf32, #tpu.memory_space<hbm>> -> memref<1x50x128xf32, #tpu.memory_space<hbm>>
      %dma_start3A_313 = tpu.memref_squeeze %dma_start3A_312 : memref<1x50x128xf32, #tpu.memory_space<hbm>> -> memref<50x128xf32, #tpu.memory_space<hbm>>
      %dma_start3A_314 = arith.constant 0 : i32
      %dma_start3A_315 = arith.constant 0 : i32
      %dma_start3A_316 = tpu.memref_slice %arg9[%dma_start3A_314, %dma_start3A_315] : memref<100x128xf32, #tpu.memory_space<vmem>> -> memref<50x128xf32, #tpu.memory_space<vmem>>
      tpu.enqueue_dma source(%dma_start3A_316 : memref<50x128xf32, #tpu.memory_space<vmem>>) target(%dma_start3A_313 : memref<50x128xf32, #tpu.memory_space<hbm>>) target_semaphore(%arg17 : memref<!tpu.dma_semaphore, #tpu.memory_space<semaphore_mem>>)
      %add3A_317 = arith.constant 1 : i32
      %add3A_318 = arith.addi %add3A_300, %add3A_317 : i32
      %dma_start3A_319 = arith.constant 50 : i32
      %dma_start3A_320 = arith.constant 0 : i32
      %dma_start3A_321 = tpu.memref_slice %arg9[%dma_start3A_319, %dma_start3A_320] : memref<100x128xf32, #tpu.memory_space<vmem>> -> memref<50x128xf32, #tpu.memory_space<vmem>>
      %dma_start3A_322 = arith.constant 0 : i32
      %dma_start3A_323 = arith.constant 0 : i32
      %dma_start3A_324 = tpu.memref_slice %arg4[%add3A_318, %dma_start3A_322, %dma_start3A_323] : memref<4096x50x128xf32, #tpu.memory_space<hbm>> -> memref<1x50x128xf32, #tpu.memory_space<hbm>>
      %dma_start3A_325 = tpu.memref_squeeze %dma_start3A_324 : memref<1x50x128xf32, #tpu.memory_space<hbm>> -> memref<50x128xf32, #tpu.memory_space<hbm>>
      %dma_start3A_326 = arith.constant 0 : i32
      %dma_start3A_327 = arith.constant 0 : i32
      %dma_start3A_328 = tpu.memref_slice %arg4[%add3A_318, %dma_start3A_326, %dma_start3A_327] : memref<4096x50x128xf32, #tpu.memory_space<hbm>> -> memref<1x50x128xf32, #tpu.memory_space<hbm>>
      %dma_start3A_329 = tpu.memref_squeeze %dma_start3A_328 : memref<1x50x128xf32, #tpu.memory_space<hbm>> -> memref<50x128xf32, #tpu.memory_space<hbm>>
      %dma_start3A_330 = arith.constant 50 : i32
      %dma_start3A_331 = arith.constant 0 : i32
      %dma_start3A_332 = tpu.memref_slice %arg9[%dma_start3A_330, %dma_start3A_331] : memref<100x128xf32, #tpu.memory_space<vmem>> -> memref<50x128xf32, #tpu.memory_space<vmem>>
      tpu.enqueue_dma source(%dma_start3A_332 : memref<50x128xf32, #tpu.memory_space<vmem>>) target(%dma_start3A_329 : memref<50x128xf32, #tpu.memory_space<hbm>>) target_semaphore(%arg17 : memref<!tpu.dma_semaphore, #tpu.memory_space<semaphore_mem>>)
      %add3A_333 = arith.constant 4 : i32
      %add3A_334 = arith.addi %add3A_290, %add3A_333 : i32
      %sub3A_335 = arith.constant 1 : i32
      %sub3A_336 = arith.subi %add3A_334, %sub3A_335 : i32
      %dma_wait3A_337 = arith.constant 0 : i32
      %dma_wait3A_338 = arith.constant 0 : i32
      %dma_wait3A_339 = arith.constant 0 : i32
      %dma_wait3A_340 = tpu.memref_slice %arg8[%dma_wait3A_338, %dma_wait3A_339] : memref<100x128xf32, #tpu.memory_space<vmem>> -> memref<50x128xf32, #tpu.memory_space<vmem>>
      %dma_wait3A_341 = arith.constant 0 : i32
      %dma_wait3A_342 = arith.constant 0 : i32
      %dma_wait3A_343 = tpu.memref_slice %arg4[%dma_wait3A_337, %dma_wait3A_341, %dma_wait3A_342] : memref<4096x50x128xf32, #tpu.memory_space<hbm>> -> memref<1x50x128xf32, #tpu.memory_space<hbm>>
      %dma_wait3A_344 = tpu.memref_squeeze %dma_wait3A_343 : memref<1x50x128xf32, #tpu.memory_space<hbm>> -> memref<50x128xf32, #tpu.memory_space<hbm>>
      %dma_wait3A_345 = arith.constant 0 : i32
      %dma_wait3A_346 = arith.constant 0 : i32
      %dma_wait3A_347 = tpu.memref_slice %arg4[%dma_wait3A_337, %dma_wait3A_345, %dma_wait3A_346] : memref<4096x50x128xf32, #tpu.memory_space<hbm>> -> memref<1x50x128xf32, #tpu.memory_space<hbm>>
      %dma_wait3A_348 = tpu.memref_squeeze %dma_wait3A_347 : memref<1x50x128xf32, #tpu.memory_space<hbm>> -> memref<50x128xf32, #tpu.memory_space<hbm>>
      %dma_wait3A_349 = arith.constant 0 : i32
      %dma_wait3A_350 = arith.constant 0 : i32
      %dma_wait3A_351 = tpu.memref_slice %arg8[%dma_wait3A_349, %dma_wait3A_350] : memref<100x128xf32, #tpu.memory_space<vmem>> -> memref<50x128xf32, #tpu.memory_space<vmem>>
      tpu.wait_dma2 semaphore(%arg16 : memref<!tpu.dma_semaphore, #tpu.memory_space<semaphore_mem>>) src(%dma_wait3A_351 : memref<50x128xf32, #tpu.memory_space<vmem>>) dst(%dma_wait3A_348 : memref<50x128xf32, #tpu.memory_space<hbm>>)
      %dma_wait3A_352 = arith.constant 0 : i32
      %dma_wait3A_353 = arith.constant 0 : i32
      %dma_wait3A_354 = arith.constant 0 : i32
      %dma_wait3A_355 = tpu.memref_slice %arg8[%dma_wait3A_353, %dma_wait3A_354] : memref<100x128xf32, #tpu.memory_space<vmem>> -> memref<50x128xf32, #tpu.memory_space<vmem>>
      %dma_wait3A_356 = arith.constant 0 : i32
      %dma_wait3A_357 = arith.constant 0 : i32
      %dma_wait3A_358 = tpu.memref_slice %arg4[%dma_wait3A_352, %dma_wait3A_356, %dma_wait3A_357] : memref<4096x50x128xf32, #tpu.memory_space<hbm>> -> memref<1x50x128xf32, #tpu.memory_space<hbm>>
      %dma_wait3A_359 = tpu.memref_squeeze %dma_wait3A_358 : memref<1x50x128xf32, #tpu.memory_space<hbm>> -> memref<50x128xf32, #tpu.memory_space<hbm>>
      %dma_wait3A_360 = arith.constant 0 : i32
      %dma_wait3A_361 = arith.constant 0 : i32
      %dma_wait3A_362 = tpu.memref_slice %arg4[%dma_wait3A_352, %dma_wait3A_360, %dma_wait3A_361] : memref<4096x50x128xf32, #tpu.memory_space<hbm>> -> memref<1x50x128xf32, #tpu.memory_space<hbm>>
      %dma_wait3A_363 = tpu.memref_squeeze %dma_wait3A_362 : memref<1x50x128xf32, #tpu.memory_space<hbm>> -> memref<50x128xf32, #tpu.memory_space<hbm>>
      %dma_wait3A_364 = arith.constant 0 : i32
      %dma_wait3A_365 = arith.constant 0 : i32
      %dma_wait3A_366 = tpu.memref_slice %arg8[%dma_wait3A_364, %dma_wait3A_365] : memref<100x128xf32, #tpu.memory_space<vmem>> -> memref<50x128xf32, #tpu.memory_space<vmem>>
      tpu.wait_dma2 semaphore(%arg16 : memref<!tpu.dma_semaphore, #tpu.memory_space<semaphore_mem>>) src(%dma_wait3A_366 : memref<50x128xf32, #tpu.memory_space<vmem>>) dst(%dma_wait3A_363 : memref<50x128xf32, #tpu.memory_space<hbm>>)
      %lt3A_367 = arith.constant 64 : i32
      %lt3A_368 = arith.cmpi slt, %sub3A_336, %lt3A_367 : i32
      %convert_element_type3A_369 = arith.extui %lt3A_368 : i1 to i32
      %cond3A_370 = arith.constant 0 : i32
      %cond3A_371 = arith.cmpi ne, %convert_element_type3A_369, %cond3A_370 : i32
      scf.if %cond3A_371 {
        %dma_start3A_372 = arith.constant 0 : i32
        %dma_start3A_373 = tpu.memref_slice %arg5[%sub3A_336, %dma_start3A_372] : memref<64x100xi32, #tpu.memory_space<vmem>> -> memref<1x100xi32, #tpu.memory_space<vmem>>
        %dma_start3A_374 = tpu.memref_squeeze %dma_start3A_373 : memref<1x100xi32, #tpu.memory_space<vmem>> -> memref<100xi32, #tpu.memory_space<vmem>>
        %dma_start3A_375 = arith.constant 0 : i32
        %dma_start3A_376 = arith.constant 0 : i32
        %dma_start3A_377 = tpu.memref_slice %arg2[%dma_start3A_375, %dma_start3A_376] : memref<100000x128xf32, #tpu.memory_space<hbm>> -> memref<100000x128xf32, #tpu.memory_space<hbm>>
        tpu.enqueue_indirect_dma source(%dma_start3A_377 : memref<100000x128xf32, #tpu.memory_space<hbm>>) target(%arg8 : memref<100x128xf32, #tpu.memory_space<vmem>>) offsets(%dma_start3A_374 : memref<100xi32, #tpu.memory_space<vmem>>) semaphore(%arg12 : memref<!tpu.dma_semaphore, #tpu.memory_space<semaphore_mem>>)
      } else {
      }
    }
    %scan3A_26 = arith.constant 16 : i32
    %dma_wait3A = arith.constant 0 : i32
    %dma_wait3A_27 = arith.constant 0 : i32
    %dma_wait3A_28 = arith.constant 0 : i32
    %dma_wait3A_29 = tpu.memref_slice %arg9[%dma_wait3A_27, %dma_wait3A_28] : memref<100x128xf32, #tpu.memory_space<vmem>> -> memref<50x128xf32, #tpu.memory_space<vmem>>
    %dma_wait3A_30 = arith.constant 0 : i32
    %dma_wait3A_31 = arith.constant 0 : i32
    %dma_wait3A_32 = tpu.memref_slice %arg4[%dma_wait3A, %dma_wait3A_30, %dma_wait3A_31] : memref<4096x50x128xf32, #tpu.memory_space<hbm>> -> memref<1x50x128xf32, #tpu.memory_space<hbm>>
    %dma_wait3A_33 = tpu.memref_squeeze %dma_wait3A_32 : memref<1x50x128xf32, #tpu.memory_space<hbm>> -> memref<50x128xf32, #tpu.memory_space<hbm>>
    %dma_wait3A_34 = arith.constant 0 : i32
    %dma_wait3A_35 = arith.constant 0 : i32
    %dma_wait3A_36 = tpu.memref_slice %arg4[%dma_wait3A, %dma_wait3A_34, %dma_wait3A_35] : memref<4096x50x128xf32, #tpu.memory_space<hbm>> -> memref<1x50x128xf32, #tpu.memory_space<hbm>>
    %dma_wait3A_37 = tpu.memref_squeeze %dma_wait3A_36 : memref<1x50x128xf32, #tpu.memory_space<hbm>> -> memref<50x128xf32, #tpu.memory_space<hbm>>
    %dma_wait3A_38 = arith.constant 0 : i32
    %dma_wait3A_39 = arith.constant 0 : i32
    %dma_wait3A_40 = tpu.memref_slice %arg9[%dma_wait3A_38, %dma_wait3A_39] : memref<100x128xf32, #tpu.memory_space<vmem>> -> memref<50x128xf32, #tpu.memory_space<vmem>>
    tpu.wait_dma2 semaphore(%arg17 : memref<!tpu.dma_semaphore, #tpu.memory_space<semaphore_mem>>) src(%dma_wait3A_40 : memref<50x128xf32, #tpu.memory_space<vmem>>) dst(%dma_wait3A_37 : memref<50x128xf32, #tpu.memory_space<hbm>>)
    %dma_wait3A_41 = arith.constant 0 : i32
    %dma_wait3A_42 = arith.constant 0 : i32
    %dma_wait3A_43 = arith.constant 0 : i32
    %dma_wait3A_44 = tpu.memref_slice %arg9[%dma_wait3A_42, %dma_wait3A_43] : memref<100x128xf32, #tpu.memory_space<vmem>> -> memref<50x128xf32, #tpu.memory_space<vmem>>
    %dma_wait3A_45 = arith.constant 0 : i32
    %dma_wait3A_46 = arith.constant 0 : i32
    %dma_wait3A_47 = tpu.memref_slice %arg4[%dma_wait3A_41, %dma_wait3A_45, %dma_wait3A_46] : memref<4096x50x128xf32, #tpu.memory_space<hbm>> -> memref<1x50x128xf32, #tpu.memory_space<hbm>>
    %dma_wait3A_48 = tpu.memref_squeeze %dma_wait3A_47 : memref<1x50x128xf32, #tpu.memory_space<hbm>> -> memref<50x128xf32, #tpu.memory_space<hbm>>
    %dma_wait3A_49 = arith.constant 0 : i32
    %dma_wait3A_50 = arith.constant 0 : i32
    %dma_wait3A_51 = tpu.memref_slice %arg4[%dma_wait3A_41, %dma_wait3A_49, %dma_wait3A_50] : memref<4096x50x128xf32, #tpu.memory_space<hbm>> -> memref<1x50x128xf32, #tpu.memory_space<hbm>>
    %dma_wait3A_52 = tpu.memref_squeeze %dma_wait3A_51 : memref<1x50x128xf32, #tpu.memory_space<hbm>> -> memref<50x128xf32, #tpu.memory_space<hbm>>
    %dma_wait3A_53 = arith.constant 0 : i32
    %dma_wait3A_54 = arith.constant 0 : i32
    %dma_wait3A_55 = tpu.memref_slice %arg9[%dma_wait3A_53, %dma_wait3A_54] : memref<100x128xf32, #tpu.memory_space<vmem>> -> memref<50x128xf32, #tpu.memory_space<vmem>>
    tpu.wait_dma2 semaphore(%arg17 : memref<!tpu.dma_semaphore, #tpu.memory_space<semaphore_mem>>) src(%dma_wait3A_55 : memref<50x128xf32, #tpu.memory_space<vmem>>) dst(%dma_wait3A_52 : memref<50x128xf32, #tpu.memory_space<hbm>>)
    return
  }
}

</mosaic_0001>

<sc_bundles>
// kernel: kernel.3.cloned.1.call-start
scs
__scs_entry_jumppad:
0x0: {  	(pc) =	sbr.rel $0x88, $3  }
0x1: {  	(tag) =	ssettag $0x0;
	lr =	simm.s32 $0x1  }
0x2: {  	[smem:$0x3F9F] =	sst lr;
	_ =	strace $0xD0000000  }
0x3: {  	_ = 	snop  }
0x4: {  	_ = 	snop  }
0x5: {  	_ = 	snop  }
0x6: {  	_ = 	snop  }
0x7: {  	_ = 	snop  }
__scs_overlays_trampoline_lowered:
0x8: {  	[smem:$0x3FAE] =	sst s0  }
0x9: {  	[smem:$0x3FAF] =	sst s1  }
0xa: {  	[smem:$0x3FB0] =	sst s2  }
0xb: {  	[smem:$0x3FB1] =	sst s3  }
0xc: {  	[smem:$0x3FB2] =	sst s4  }
0xd: {  	[smem:$0x3FB3] =	sst s5  }
0xe: {  	[smem:$0x3FB4] =	sst s6  }
0xf: {  	[smem:$0x3FB5] =	sst s7  }
0x10: {  	[smem:$0x3FB6] =	sst s8  }
0x11: {  	[smem:$0x3FB7] =	sst s9;
	s0 =	simm.s32 @!p0 $0x0  }
0x12: {  	s1 =	sld [smem:$0x3F9D];
	s0 =	simm.s32 @p0 $0x1  }
0x13: {  	[smem:$0x3FB8] =	sst s0;
	s0 =	simm.s32 @!p1 $0x0  }
0x14: {  	s2 =	sld [smem:$0x3F9C];
	s0 =	simm.s32 @p1 $0x1  }
0x15: {  	[smem:$0x3FB9] =	sst s0;
	s0 =	simm.s32 @!p2 $0x0  }
0x16: {  	s3 =	sld [smem:$0x3FDB];
	s0 =	simm.s32 @p2 $0x1  }
0x17: {  	s4 =	simm.s32 $0x1BF5;
	[smem:$0x3FBB] =	sst s0  }
0x18: {  	s0 =	sld [smem:$0x3F9E];
	_ =	swait.ge [sflag:s4], $0x0  }
0x19: {  	s7 =	sld [smem:$0x3F9F]  }
0x1a: {  	s8 =	sadd.s32 $0xFFFFE003, lr  }
0x1b: {  	s9 =	sadd.s32 $0xFFFFFEF7, lr;
	s5 =	simm.s32 $0xFFFFFFFF;
	p2 =	slt.u32 s8, $0xFFFFF086  }
0x1c: {  	p1 =	slt.u32 s9, $0xF7A;
	s5 =	simm.s32 @!p2 $0x0  }
0x1d: {  	s5 =	simm.s32 @p1 $0x1;
	p0 =	seq.s32 s7, s2  }
0x1e: {  	s7 =	smul.u32 @!p0 $0xF7A, s2;
	p2 =	seq.s32 @!p0 s5, $0x0  }
0x1f: {  	s9 =	smul.u32 $0xF7A, s1;
	s8 =	simm.s32 @!p0 $0x1BF5;
	p2 =	por !p2, p0  }
0x20: {  	[sflag:s8] =	ssyncset.s32 @!p0 $0xFFFFF086;
	s6 =	sadd.s32 @!p0 s3, s7;
	s7 =	simm.s32 @!p0 $0x108  }
0x21: {  	s3 =	sadd.s32 s3, s9;
	s6 =	sadd.s32 @!p0 $0x88, s6;
	s7 =	simm.s32 @p2 $0x1082  }
0x22: {  	[simem:s7], [sflag:s8] =	dma.local @!p0 [hbm:s6], $0xF7A  }
0x23: {  	s9 =	sor.u32 $0xD0000000, s2;
	s6 =	simm.s32 $0x108;
	_ =	swait.ge @!p0 [sflag:s8], $0x0  }
0x24: {  	s3 =	sadd.s32 $0x88, s3;
	s6 =	simm.s32 @!p1 $0x1082;
	[sflag:s4] =	ssyncset.s32 $0xFFFFF086  }
0x25: {  	[simem:s6], [sflag:s4] =	dma.local [hbm:s3], $0xF7A  }
0x26: {  	[smem:$0x3F9F] =	sst s1;
	(tag) =	ssettag s2;
	_ =	strace s9  }
0x27: {  	s1 =	sld [smem:$0x3FAF]  }
0x28: {  	s2 =	sld [smem:$0x3FB0]  }
0x29: {  	s4 =	sld [smem:$0x3FB2]  }
0x2a: {  	p0 =	seq.s32 s5, $0x0;
	s5 =	sld [smem:$0x3FB3]  }
0x2b: {  	s6 =	sld [smem:$0x3FB4]  }
0x2c: {  	s7 =	sld [smem:$0x3FB5]  }
0x2d: {  	s3 =	simm.s32 $0x108;
	s8 =	sld [smem:$0x3FB6]  }
0x2e: {  	s3 =	simm.s32 @!p0 $0x1082;
	s9 =	sld [smem:$0x3FB7]  }
0x2f: {  	lr =	sadd.s32 s0, s3;
	s0 =	sld [smem:$0x3FAE]  }
0x30: {  	s3 =	sld [smem:$0x3FB1]  }
0x31: {  	[smem:$0x3FBA] =	sst s10  }
0x32: {  	s10 =	sld [smem:$0x3FB8];
	_ =	sdelay $0x3  }
0x33: {  	p0 =	seq.s32 s10, $0x1;
	s10 =	sld [smem:$0x3FBA];
	_ =	sdelay $0x3  }
0x34: {  	[smem:$0x3FBA] =	sst s10  }
0x35: {  	s10 =	sld [smem:$0x3FB9];
	_ =	sdelay $0x3  }
0x36: {  	p1 =	seq.s32 s10, $0x1;
	s10 =	sld [smem:$0x3FBA];
	_ =	sdelay $0x3  }
0x37: {  	[smem:$0x3FBA] =	sst s10  }
0x38: {  	s10 =	sld [smem:$0x3FBB]  }
0x39: {  	_ = 	snop;
	(pc) =	sbr.ind lr, $3  }
0x3a: {  	_ = 	snop  }
0x3b: {  	_ = 	snop  }
0x3c: {  	p2 =	seq.s32 s10, $0x1;
	s10 =	sld [smem:$0x3FBA]  }
0x3d: {  	_ =	shalt  }
0x3e: {  	_ =	shalt  }
0x3f: {  	_ =	shalt  }
0x40: {  	_ =	shalt  }
0x41: {  	_ =	shalt  }
0x42: {  	_ =	shalt  }
0x43: {  	_ =	shalt  }
0x44: {  	_ =	shalt  }
0x45: {  	_ =	shalt  }
0x46: {  	_ =	shalt  }
0x47: {  	_ =	shalt  }
0x48: {  	_ =	shalt  }
0x49: {  	_ =	shalt  }
0x4a: {  	_ =	shalt  }
0x4b: {  	_ =	shalt  }
0x4c: {  	_ =	shalt  }
0x4d: {  	_ =	shalt  }
0x4e: {  	_ =	shalt  }
0x4f: {  	_ =	shalt  }
0x50: {  	_ =	shalt  }
0x51: {  	_ =	shalt  }
0x52: {  	_ =	shalt  }
0x53: {  	_ =	shalt  }
0x54: {  	_ =	shalt  }
0x55: {  	_ =	shalt  }
0x56: {  	_ =	shalt  }
0x57: {  	_ =	shalt  }
0x58: {  	_ =	shalt  }
0x59: {  	_ =	shalt  }
0x5a: {  	_ =	shalt  }
0x5b: {  	_ =	shalt  }
0x5c: {  	_ =	shalt  }
0x5d: {  	_ =	shalt  }
0x5e: {  	_ =	shalt  }
0x5f: {  	_ =	shalt  }
0x60: {  	_ =	shalt  }
0x61: {  	_ =	shalt  }
0x62: {  	_ =	shalt  }
0x63: {  	_ =	shalt  }
0x64: {  	_ =	shalt  }
0x65: {  	_ =	shalt  }
0x66: {  	_ =	shalt  }
0x67: {  	_ =	shalt  }
0x68: {  	_ =	shalt  }
0x69: {  	_ =	shalt  }
0x6a: {  	_ =	shalt  }
0x6b: {  	_ =	shalt  }
0x6c: {  	_ =	shalt  }
0x6d: {  	_ =	shalt  }
0x6e: {  	_ =	shalt  }
0x6f: {  	_ =	shalt  }
0x70: {  	_ =	shalt  }
0x71: {  	_ =	shalt  }
0x72: {  	_ =	shalt  }
0x73: {  	_ =	shalt  }
0x74: {  	_ =	shalt  }
0x75: {  	_ =	shalt  }
0x76: {  	_ =	shalt  }
0x77: {  	_ =	shalt  }
0x78: {  	_ =	shalt  }
0x79: {  	_ =	shalt  }
0x7a: {  	_ =	shalt  }
0x7b: {  	_ =	shalt  }
0x7c: {  	_ =	shalt  }
0x7d: {  	_ =	shalt  }
0x7e: {  	_ =	shalt  }
0x7f: {  	_ =	shalt  }
0x80: {  	_ =	shalt  }
0x81: {  	_ =	shalt  }
0x82: {  	_ =	shalt  }
0x83: {  	_ =	shalt  }
0x84: {  	_ =	shalt  }
0x85: {  	_ =	shalt  }
0x86: {  	_ =	shalt  }
0x87: {  	_ =	shalt  }
.Lfunc_end0:
.L_simem_size_0:
called_computation_lowered:
.L_overlay_start_0:
0x88: {  	s2 =	sld [smem:$0x3FD9]  }
0x89: {  	s3 =	sld [smem:$0x3FFE];
	_ =	sdelay $0x1  }
0x8a: {  	s1 =	srdreg.scid  }
0x8b: {  	s0 =	sand.u32 $0x1, s1  }
0x8c: {  	s17 =	sshll.u32 s0, $0xA;
	s2 =	sadd.s32 s3, s2  }
0x8d: {  	s2 =	sadd.s32 s2, s17  }
0x8e: {  	[smem:$0x3FC6] =	sst s2  }
0x8f: {  	_ = 	snop  }
0x90: {  	s2 =	sld [smem:$0x3FC8]  }
0x91: {  	s18 =	sld [smem:$0x3FD0];
	(tm) =	ssettm $0x1  }
0x92: {  	s4 =	sld [smem:$0x3FFB];
	_ =	sdelay $0x3  }
0x93: {  	_ =	strace s4  }
0x94: {  	s4 =	sld [smem:$0x3FFC];
	_ =	sdelay $0x3  }
0x95: {  	_ =	strace s4  }
0x96: {  	s4 =	sld [smem:$0x3FFD];
	_ =	sdelay $0x3  }
0x97: {  	_ =	strace s4  }
0x98: {  	_ =	strace $0x8FFFFFFF  }
0x99: {  	s19 =	sld [smem:$0x3FDB];
	_ =	sdelay $0x1  }
0x9a: {  	s5 =	simm.s32 $_scs_section_size  }
0x9b: {  	s6 =	simm.s32 $_size__tile_overlayer_lowered;
	s7 =	simm.s32 $_tile_overlayer_lowered  }
0x9c: {  	s22 =	simm.s32 $0x1BFF;
	s21 =	sshll.u32 s7, $0x1;
	s4 =	sadd.s32 s5, s19  }
0x9d: {  	s8 =	simm.s32 $0x0;
	s20 =	sshll.u32 s6, $0x1;
	s6 =	sadd.s32 s21, s4  }
0x9e: {  	[timem:s8], [sflag:s22] =	dma.local [hbm:s6], s20  }
0x9f: {  	_ =	swait.ge [sflag:s22], s20  }
0xa0: {  	s5 =	ssub.s32 $0x0, s20;
	[sflag:s22] =	ssyncset.done $0x0  }
0xa1: {  	[sflag:s22] =	ssyncadd.s32 s5;
	_ =	sdelay $0x1  }
0xa2: {  	s23 =	simm.s32 $0x1B8B  }
0xa3: {  	_ =	swait.ge [sflag:s23], $0x1  }
0xa4: {  	[sflag:s23] =	ssyncset.done $0x0  }
0xa5: {  	s25 =	simm.s32 $0x1B8E;
	s24 =	sld [smem:$0x3FFE];
	[sflag:s23] =	ssyncadd.s32 $0xFFFFFFFF  }
0xa6: {  	s26 =	simm.s32 $execute0_lowered;
	[smem:$0x3FD2] =	sst s25  }
0xa7: {  	s6 =	sshll.u32 s26, $0x1;
	_ =	strace $0x80000046;
	[dreg:$0x1] =	wrdreg $0xFFFFFFFF  }
0xa8: {  	s28 =	simm.s32 $_size_execute0_lowered;
	s4 =	sadd.s32 s4, s6;
	[dreg:$0x0] =	wrdreg $0x0  }
0xa9: {  	s6 =	sshll.u32 s28, $0x1;
	[dreg:$0x2] =	wrdreg s4  }
0xaa: {  	[dreg:$0x3] =	wrdreg s6  }
0xab: {  	[dreg:$0x4] =	wrdreg $0xC0  }
0xac: {  	_ =	task [dreg:s8], $0x5FFFF  }
0xad: {  	[dreg:$0x1] =	wrdreg $0xFFFFFFFF  }
0xae: {  	[dreg:$0x0] =	wrdreg $0x60  }
0xaf: {  	[dreg:$0x2] =	wrdreg s2  }
0xb0: {  	[dreg:$0x3] =	wrdreg s18  }
0xb1: {  	[dreg:$0x4] =	wrdreg s24  }
0xb2: {  	[dreg:$0x5] =	wrdreg $0x9  }
0xb3: {  	_ =	task.clear_ibuf [dreg:s8], $0x6FFFF;
	_ =	strace $0x90000046  }
0xb4: {  	s29 =	simm.s32 $0x9;
	_ =	strace $0x80000048  }
0xb5: {  	_ =	swait.ge [sflag:s29], $0x1  }
0xb6: {  	[sflag:s29] =	ssyncadd.s32 $0xFFFFFFFF  }
0xb7: {  	_ =	strace $0x90000048  }
0xb8: {  	_ =	sfence  }
0xb9: {  	s30 =	sld [smem:$0x0];
	_ =	sdelay $0x2  }
0xba: {  	s31 =	sshll.u32 s1, $0xD;
	s1 =	sshrl.u32 s1, $0x2  }
0xbb: {  	s3 =	sand.u32 $0x4000, s31;
	s1 =	sadd.s32 s1, s30  }
0xbc: {  	s0 =	sor.u32 s3, s0;
	s1 =	sshll.u32 s1, $0x11  }
0xbd: {  	s0 =	sor.u32 s1, s0  }
0xbe: {  	s0 =	sadd.s32 $0x8F2B, s0  }
0xbf: {  	[sflag:s0] =	ssyncadd.remote.s32 $0x1  }
0xc0: {  	_ =	sfence.sel $0xFFFF  }
0xc1: {  	[dreg:$0x0] =	wrdreg $0xFFFFFFFF;
	(pc) =	sbr.abs _section_cstart, $3  }
0xc2: {  	[dreg:$0x1] =	wrdreg $0xFFFFFFFF  }
0xc3: {  	_ =	task.clear_ibuf [dreg:s8], $0x2FFFF;
	_ =	strace $0x9FFFFFFF  }
0xc4: {  	(tm) =	ssettm $0x7FFFFFFF  }
0xc5: {  	_ =	shalt  }
tec
execute0_lowered:
.L_overlay_start_1:
0x0: {  	(tag) =	ssettag $0x1  }
0x1: {  	s1 =	rddreg [dreg:$0x0]  }
0x2: {  	s0 =	rddreg [dreg:$0x1]  }
0x3: {  	s2 =	rddreg [dreg:$0x2]  }
0x4: {  	s4 =	srdreg.scid;
	s11 =	stileid.u32  }
0x5: {  	s3 =	simm.s32 $0x0;
	s12 =	simm.s32 $0x2000;
	s14 =	simm.s32 $0x5400  }
0x6: {  	s16 =	simm.s32 $0x8800;
	s17 =	simm.s32 $0x1;
	s18 =	simm.s32 $0x3900  }
0x7: {  	s28 =	simm.s32 $0xD500;
	s29 =	simm.s32 $0x7;
	s30 =	simm.s32 $0x8  }
0x8: {  	s31 =	simm.s32 $0x0;
	s7 =	sand.u32 $0x1, s4;
	s19 =	smul.u32 $0x1C0000, s11  }
0x9: {  	[smem:$0x7FF] =	sst s3;
	s2 =	sadd.s32 $0x400, s2;
	s24 =	smul.u32 $0x38000, s11  }
0xa: {  	s8 =	sshll.u32 s11, $0xB;
	s11 =	simm.s32 $0x64;
	s5 =	smul.u32 $0xE0000, s7  }
0xb: {  	_ =	strace $0x80000047;
	s6 =	ssub.s32 $0x2, s7;
	s9 =	sshll.u32 s7, $0xA  }
0xc: {  	s7 =	smul.u32 $0x1C000, s7;
	s20 =	sshrl.u32 s6, $0x1;
	s21 =	sor.u32 s9, s8  }
0xd: {  	s10 =	sadd.s32 s5, s19;
	s6 =	ssub.s32 s6, s20;
	s0 =	sadd.s32 s0, s21  }
0xe: {  	s19 =	simm.s32 $0xBC00;
	s20 =	simm.s32 $0x2;
	s21 =	simm.s32 $0x6D00  }
0xf: {  	s22 =	sor.u32 $0x8C00, s10;
	[dreg:$0x4] =	wrdreg s0;
	s4 =	smax.u32 s6, $0x1  }
0x10: {  	s25 =	sor.u32 $0x5400, s10;
	s26 =	sor.u32 $0xC400, s10;
	s0 =	sadd.s32 s24, s2  }
.Ltmp0:
0x11: {  	s10 =	simm.s32 $0x9;
	s24 =	simm.s32 $0xA100;
	(pc) =	sbr.rel .LBB2_1-.Ltmp0, $4  }
0x12: {  	s23 =	sshrl.u32 s22, $0x3;
	[dreg:$0x5] =	wrdreg s4;
	s8 =	sshrl.u32 s25, $0x3  }
0x13: {  	s9 =	sshrl.u32 s26, $0x3;
	s7 =	sadd.s32 s7, s0;
	s22 =	simm.s32 $0x5  }
0x14: {  	s25 =	simm.s32 $0x6;
	s26 =	simm.s32 $0x4;
	s6 =	sadd.s32 s23, s2  }
0x15: {  	s8 =	sadd.s32 s8, s2;
	s9 =	sadd.s32 s9, s2;
	s23 =	simm.s32 $0x3  }
.LBB2_4:
0x16: {  	_ =	swait.ge [sflag:s30], $0x1900  }
0x17: {  	[sflag:s30] =	ssyncset.done $0x0  }
0x18: {  	[sflag:s30] =	ssyncadd.s32 $0xFFFFE700  }
0x19: {  	_ =	swait.ge [sflag:s30], $0x1900  }
0x1a: {  	s31 =	sadd.s32 $0x1, s31;
	s0 =	rddreg [dreg:$0x5]  }
0x1b: {  	p0 =	sne.s32 s31, s0  }
.Ltmp1:
0x1c: {  	_ = 	snop;
	(pc) =	sbr.rel @!p0 .LBB2_5-.Ltmp1, $3  }
0x1d: {  	_ =	sdelay $0x1  }
0x1e: {  	[sflag:s30] =	ssyncset.done $0x0  }
0x1f: {  	[sflag:s30] =	ssyncadd.s32 $0xFFFFE700  }
.LBB2_1:
0x20: {  	s0 =	rddreg [dreg:$0x4]  }
0x21: {  	[tilespmem:s3], [sflag:$0x9] =	stream.linear.gather [hbm4b:s0+s3], $0x2000, $0x38;
	[tilespmem:$0xF000] =	vst v63  }
0x22: {  	_ =	swait.ge [sflag:s10], $0x2000  }
0x23: {  	[sflag:s10] =	ssyncset.done $0x0  }
0x24: {  	[sflag:s10] =	ssyncadd.s32 $0xFFFFE000  }
0x25: {  	[tilespmem:s12], [sflag:$0x1] =	stream.indirect.gather [hbm4b:s1+s11], $0x80, s3, s11, $0xb8;
	[tilespmem:$0xF000] =	vst v63  }
0x26: {  	s13 =	simm.s32 $0x80  }
0x27: {  	[tilespmem:s14], [sflag:$0x2] =	stream.indirect.gather [hbm4b:s1+s11], $0x80, s13, s11, $0xb8;
	[tilespmem:$0xF000] =	vst v63  }
0x28: {  	s15 =	simm.s32 $0x100;
	s2 =	simm.s32 $0x0;
	s0 =	simm.s32 $0x300  }
0x29: {  	[tilespmem:s16], [sflag:$0x3] =	stream.indirect.gather [hbm4b:s1+s11], $0x80, s15, s11, $0xb8;
	[tilespmem:$0xF000] =	vst v63  }
.LBB2_2:
0x2a: {  	_ =	swait.ge [sflag:s17], $0x3200  }
0x2b: {  	[sflag:s17] =	ssyncset.done $0x0  }
0x2c: {  	s13 =	sadd.s32 s2, s7;
	[sflag:s17] =	ssyncadd.s32 $0xFFFFCE00  }
0x2d: {  	[hbm4b:s13+s3] =	stream.linear.scatter [tilespmem:s12], [sflag:$0x5], $0x1900, $0x38;
	[tilespmem:$0xF000] =	vst v63  }
0x2e: {  	p0 =	seq.s32 s2, $0x0;
	s15 =	sadd.s32 $0x380, s13  }
0x2f: {  	[hbm4b:s15+s3] =	stream.linear.scatter [tilespmem:s18], [sflag:$0x5], $0x1900, $0x38;
	[tilespmem:$0xF000] =	vst v63  }
0x30: {  	s15 =	simm.s32 @!p0 $0x8  }
0x31: {  	_ =	swait.ge @!p0 [sflag:s15], $0x1900  }
0x32: {  	[sflag:s15] =	ssyncset.done @!p0 $0x0  }
0x33: {  	[sflag:s15] =	ssyncadd.s32 @!p0 $0xFFFFE700  }
0x34: {  	_ =	swait.ge @!p0 [sflag:s15], $0x1900  }
0x35: {  	[sflag:s15] =	ssyncset.done @!p0 $0x0  }
0x36: {  	s5 =	sadd.s32 $0xFFFFFE80, s0;
	[sflag:s15] =	ssyncadd.s32 @!p0 $0xFFFFE700  }
0x37: {  	[tilespmem:s19], [sflag:$0x4] =	stream.indirect.gather [hbm4b:s1+s11], $0x80, s5, s11, $0xb8;
	[tilespmem:$0xF000] =	vst v63  }
0x38: {  	_ =	swait.ge [sflag:s20], $0x3200  }
0x39: {  	[sflag:s20] =	ssyncset.done $0x0  }
0x3a: {  	s4 =	sadd.s32 $0x700, s13;
	[sflag:s20] =	ssyncadd.s32 $0xFFFFCE00  }
0x3b: {  	[hbm4b:s4+s3] =	stream.linear.scatter [tilespmem:s14], [sflag:$0x6], $0x1900, $0x38;
	[tilespmem:$0xF000] =	vst v63  }
0x3c: {  	s5 =	sadd.s32 s2, s8  }
0x3d: {  	[hbm4b:s5+s3] =	stream.linear.scatter [tilespmem:s21], [sflag:$0x6], $0x1900, $0x38;
	[tilespmem:$0xF000] =	vst v63  }
0x3e: {  	_ =	swait.ge [sflag:s22], $0x1900  }
0x3f: {  	[sflag:s22] =	ssyncset.done $0x0  }
0x40: {  	[sflag:s22] =	ssyncadd.s32 $0xFFFFE700  }
0x41: {  	p0 =	seq.s32 s2, $0x1A400;
	_ =	swait.ge [sflag:s22], $0x1900  }
0x42: {  	s15 =	sadd.s32 @!p0 $0xFFFFFF00, s0;
	[sflag:s22] =	ssyncset.done $0x0  }
0x43: {  	s4 =	simm.s32 @!p0 $0x64;
	s5 =	simm.s32 @!p0 $0x2000;
	[sflag:s22] =	ssyncadd.s32 $0xFFFFE700  }
0x44: {  	[tilespmem:s5], [sflag:$0x1] =	stream.indirect.gather @!p0 [hbm4b:s1+s4], $0x80, s15, s4, $0xb8;
	[tilespmem:$0xF000] =	vst v63  }
0x45: {  	_ =	swait.ge [sflag:s23], $0x3200  }
0x46: {  	[sflag:s23] =	ssyncset.done $0x0  }
0x47: {  	s15 =	sadd.s32 $0xE00, s13;
	[sflag:s23] =	ssyncadd.s32 $0xFFFFCE00  }
0x48: {  	[hbm4b:s15+s3] =	stream.linear.scatter [tilespmem:s16], [sflag:$0x7], $0x1900, $0x38;
	[tilespmem:$0xF000] =	vst v63  }
0x49: {  	s15 =	sadd.s32 s2, s6  }
0x4a: {  	[hbm4b:s15+s3] =	stream.linear.scatter [tilespmem:s24], [sflag:$0x7], $0x1900, $0x38;
	[tilespmem:$0xF000] =	vst v63  }
0x4b: {  	_ =	swait.ge [sflag:s25], $0x1900  }
0x4c: {  	[sflag:s25] =	ssyncset.done $0x0  }
0x4d: {  	[sflag:s25] =	ssyncadd.s32 $0xFFFFE700  }
0x4e: {  	_ =	swait.ge [sflag:s25], $0x1900  }
0x4f: {  	[sflag:s25] =	ssyncset.done $0x0  }
0x50: {  	s5 =	sadd.s32 @!p0 $0xFFFFFF80, s0;
	s15 =	simm.s32 @!p0 $0x5400;
	[sflag:s25] =	ssyncadd.s32 $0xFFFFE700  }
0x51: {  	[tilespmem:s15], [sflag:$0x2] =	stream.indirect.gather @!p0 [hbm4b:s1+s4], $0x80, s5, s4, $0xb8;
	[tilespmem:$0xF000] =	vst v63  }
0x52: {  	_ =	swait.ge [sflag:s26], $0x3200  }
0x53: {  	[sflag:s26] =	ssyncset.done $0x0  }
0x54: {  	s13 =	sadd.s32 $0x1500, s13;
	[sflag:s26] =	ssyncadd.s32 $0xFFFFCE00  }
0x55: {  	[hbm4b:s13+s3] =	stream.linear.scatter [tilespmem:s19], [sflag:$0x8], $0x1900, $0x38;
	[tilespmem:$0xF000] =	vst v63  }
0x56: {  	s15 =	sadd.s32 s2, s9  }
0x57: {  	[hbm4b:s15+s3] =	stream.linear.scatter [tilespmem:s28], [sflag:$0x8], $0x1900, $0x38;
	[tilespmem:$0xF000] =	vst v63  }
0x58: {  	_ =	swait.ge [sflag:s29], $0x1900  }
.Ltmp2:
0x59: {  	[sflag:s29] =	ssyncset.done $0x0;
	(pc) =	sbr.rel @p0 .LBB2_4-.Ltmp2, $4  }
0x5a: {  	[sflag:s29] =	ssyncadd.s32 $0xFFFFE700  }
0x5b: {  	_ =	swait.ge [sflag:s29], $0x1900  }
0x5c: {  	[sflag:s29] =	ssyncset.done $0x0  }
0x5d: {  	[sflag:s29] =	ssyncadd.s32 $0xFFFFE700  }
.Ltmp3:
0x5e: {  	(pc) =	sbr.rel .LBB2_2-.Ltmp3, $3  }
0x5f: {  	_ =	sdelay $0x1  }
0x60: {  	[tilespmem:s16], [sflag:$0x3] =	stream.indirect.gather [hbm4b:s1+s11], $0x80, s0, s11, $0xb8;
	[tilespmem:$0xF000] =	vst v63  }
0x61: {  	s0 =	sadd.s32 $0x200, s0;
	s2 =	sadd.s32 $0x1C00, s2  }
.LBB2_5:
0x62: {  	_ =	sfence.sel $0x180000  }
0x63: {  	[bflag:$0x0] =	sbarrier.arrive $0xFFFF  }
0x64: {  	_ =	strace $0x90000047  }
0x65: {  	s0 =	stileid.u32;
	[bflag:$0x2] =	sbarrier.arrive $0xFFFF  }
0x66: {  	p0 =	sne.s32 s0, $0x0;
	s0 =	rddreg [dreg:$0x3]  }
0x67: {  	s0 =	sadd.s32 @!p0 $0x100000, s0  }
0x68: {  	[sflag:s0] =	ssyncadd.tile.s32 @!p0 $0x1;
	_ =	shalt  }
.Lfunc_end2:
_tile_overlayer_lowered:
.L_overlay_start_2:
0x69: {  	(tag) =	ssettag $0x2  }
0x6a: {  	s0 =	rddreg [dreg:$0x0];
	s2 =	stileid.u32  }
0x6b: {  	s1 =	rddreg [dreg:$0x1];
	p0 =	sne.s32 s2, $0x0  }
0x6c: {  	s3 =	rddreg [dreg:$0x2];
	[bflag:$0x3] =	sbarrier.arrive $0xFFFF;
	s2 =	simm.s32 @!p0 $0x1C09  }
0x6d: {  	[timem:s3], [sflag:s2] =	dma.local @!p0 [hbm:s0], s1  }
0x6e: {  	s0 =	simm.s32 @!p0 $0x9  }
0x6f: {  	_ =	swait.ge @!p0 [sflag:s0], s1  }
0x70: {  	s1 =	ssub.s32 @!p0 $0x0, s1;
	[sflag:s0] =	ssyncset.done @!p0 $0x0  }
0x71: {  	[sflag:s0] =	ssyncadd.s32 @!p0 s1  }
0x72: {  	[bflag:$0x3] =	sbarrier.arrive $0xFFFF  }
0x73: {  	_ =	shalt  }

</sc_bundles>
